<compile_context>
chip_gen: v7x
topology: tpu7x:2x2x1
jax: 0.10.2.dev20260603
libtpu: 0.0.44.dev20260713+nightly
codegen_flags: <defaults>
</compile_context>

<pallas_src>
import functools

import jax
import jax.numpy as jnp
from jax import lax
from jax.experimental import pallas as pl
from jax.experimental.pallas import tpu as pltpu
from jax.experimental.pallas import tpu_sc as plsc

_NC = 2
_NS = 16
_NW = _NC * _NS
_LANES = 16
_EMB = 64
_BATCH = 16384
_BPW = _BATCH // _NW
_CHUNK = 128
_NCHUNK = _BPW // _CHUNK
_GROUPS = _BPW // _LANES


def _mf_body(u2, i2, i2b, ue, ie, bcat, mean16, out,
             uidx, iidx, ibidx, urows, irows, ubias, ibias, outv, meanv, sem):
    wid = lax.axis_index("s") * _NC + lax.axis_index("c")
    base = wid * _BPW

    pltpu.sync_copy(u2.at[pl.ds(wid * _NCHUNK, _NCHUNK)], uidx)
    pltpu.sync_copy(i2.at[pl.ds(wid * _NCHUNK, _NCHUNK)], iidx)
    pltpu.sync_copy(i2b.at[pl.ds(wid * _NCHUNK, _NCHUNK)], ibidx)
    pltpu.sync_copy(mean16, meanv)

    descs = []
    for k in range(_NCHUNK):
        sl = pl.ds(k * _CHUNK, _CHUNK)
        descs.append(pltpu.async_copy(ue.at[uidx.at[k]], urows.at[sl], sem))
        descs.append(pltpu.async_copy(ie.at[iidx.at[k]], irows.at[sl], sem))
        descs.append(pltpu.async_copy(bcat.at[uidx.at[k]], ubias.at[sl], sem))
        descs.append(pltpu.async_copy(bcat.at[ibidx.at[k]], ibias.at[sl], sem))
    for d in descs:
        d.wait()

    mean_v = meanv[...]
    lane = lax.iota(jnp.int32, _LANES)
    perms = [lane ^ sh for sh in (8, 4, 2, 1)]

    dnums = lax.GatherDimensionNumbers(
        offset_dims=(), collapsed_slice_dims=(0,), start_index_map=(0,))

    def hsum(v):
        for p in perms:
            v = v + lax.gather(v, p.reshape(_LANES, 1), dnums, (1,),
                               mode=lax.GatherScatterMode.PROMISE_IN_BOUNDS)
        return v

    def body(g, carry):
        j0 = g * _LANES
        sums = jnp.zeros((_LANES,), jnp.float32)
        for jj in range(_LANES):
            j = j0 + jj
            acc = urows[j, pl.ds(0, _LANES)] * irows[j, pl.ds(0, _LANES)]
            for t in range(1, _EMB // _LANES):
                acc = acc + (urows[j, pl.ds(t * _LANES, _LANES)]
                             * irows[j, pl.ds(t * _LANES, _LANES)])
            sums = jnp.where(lane == jj, hsum(acc), sums)
        bu = ubias[pl.ds(j0, _LANES)]
        bi = ibias[pl.ds(j0, _LANES)]
        outv[pl.ds(j0, _LANES)] = sums + bu + bi + mean_v
        return carry

    lax.fori_loop(0, _GROUPS, body, 0)

    pltpu.sync_copy(outv, out.at[pl.ds(base, _BPW)])


@jax.jit
def _mf(u2, i2, i2b, ue, ie, bcat, mean16):
    mesh = plsc.VectorSubcoreMesh(core_axis_name="c", subcore_axis_name="s")
    f = functools.partial(
        pl.kernel,
        out_type=jax.ShapeDtypeStruct((_BATCH,), jnp.float32),
        mesh=mesh,
        compiler_params=pltpu.CompilerParams(use_tc_tiling_on_sc=False),
        scratch_types=[
            pltpu.VMEM((_NCHUNK, _CHUNK), jnp.int32),
            pltpu.VMEM((_NCHUNK, _CHUNK), jnp.int32),
            pltpu.VMEM((_NCHUNK, _CHUNK), jnp.int32),
            pltpu.VMEM((_BPW, _EMB), jnp.float32),
            pltpu.VMEM((_BPW, _EMB), jnp.float32),
            pltpu.VMEM((_BPW,), jnp.float32),
            pltpu.VMEM((_BPW,), jnp.float32),
            pltpu.VMEM((_BPW,), jnp.float32),
            pltpu.VMEM((_LANES,), jnp.float32),
            pltpu.SemaphoreType.DMA,
        ],
    )(_mf_body)
    return f(u2, i2, i2b, ue, ie, bcat, mean16)


def kernel(u_id, i_id, user_emb, user_bias, item_emb, item_bias, mean):
    n = user_bias.shape[0]
    u2 = u_id.astype(jnp.int32).reshape(_NW * _NCHUNK, _CHUNK)
    i2 = i_id.astype(jnp.int32).reshape(_NW * _NCHUNK, _CHUNK)
    i2b = i2 + n
    bcat = jnp.concatenate([user_bias.reshape(-1), item_bias.reshape(-1)])
    mean16 = jnp.broadcast_to(mean.astype(jnp.float32), (_LANES,))
    return _mf(u2, i2, i2b, user_emb, item_emb, bcat, mean16)

# --- scband reference (transcript-rebuilt; emitter-appended) ---
"""Pipeline reference for scband-mf-13228499272134 (READ-ONLY COPY).

The authoritative reference and input builder live on the scoring server;
editing this copy changes nothing except your own understanding.
"""

import jax, jax.numpy as jnp
import numpy as np

NUM_USERS = 1000000
NUM_ITEMS = 1000000
EMB = 64
MEAN = 3.5
BATCH = 16384

def setup_inputs(seed: int = 0) -> dict:
    key = jax.random.key(seed)
    k1, k2, k3, k4, k5, k6 = jax.random.split(key, 6)
    u_id = jax.random.randint(k1, (BATCH,), 0, NUM_USERS, dtype=jnp.int64) if jax.config.jax_enable_x64 else jax.random.randint(k1, (BATCH,), 0, NUM_USERS, dtype=jnp.int32)
    i_id = jax.random.randint(k2, (BATCH,), 0, NUM_ITEMS, dtype=jnp.int32)
    user_emb = jax.random.uniform(k3, (NUM_USERS, EMB), dtype=jnp.float32, minval=0.0, maxval=0.005)
    user_bias = jax.random.uniform(k4, (NUM_USERS, 1), dtype=jnp.float32, minval=-0.01, maxval=0.01)
    item_emb = jax.random.uniform(k5, (NUM_ITEMS, EMB), dtype=jnp.float32, minval=0.0, maxval=0.005)
    item_bias = jax.random.uniform(k6, (NUM_ITEMS, 1), dtype=jnp.float32, minval=-0.01, maxval=0.01)
    mean = jnp.array([MEAN], dtype=jnp.float32)
    return {"u_id": u_id, "i_id": i_id, "user_emb": user_emb, "user_bias": user_bias, "item_emb": item_emb, "item_bias": item_bias, "mean": mean}

def reference(u_id, i_id, user_emb, user_bias, item_emb, item_bias, mean):
    U = jnp.take(user_emb, u_id, axis=0)
    b_u = jnp.take(user_bias, u_id, axis=0).squeeze(-1)
    I = jnp.take(item_emb, i_id, axis=0)
    b_i = jnp.take(item_bias, i_id, axis=0).squeeze(-1)
    return (U * I).sum(axis=1) + b_u + b_i + mean[0]

if __name__ == "__main__":
    import jax
    _d = setup_inputs()
    print(jax.jit(kernel)(*tuple(_d.values())))

</pallas_src>

<mosaic_0001>
#map = affine_map<(d0, d1) -> (0, 0)>
#map1 = affine_map<(d0, d1) -> (0)>
module attributes {stable_mosaic.version = 14 : i64} {
  func.func @_mf_body(%arg0: i32, %arg1: i32, %arg2: memref<128x128xi32, #tpu.memory_space<hbm>>, %arg3: memref<128x128xi32, #tpu.memory_space<hbm>>, %arg4: memref<128x128xi32, #tpu.memory_space<hbm>>, %arg5: memref<1000000x64xf32, #tpu.memory_space<hbm>>, %arg6: memref<1000000x64xf32, #tpu.memory_space<hbm>>, %arg7: memref<2000000xf32, #tpu.memory_space<hbm>>, %arg8: memref<16xf32, #tpu.memory_space<hbm>>, %arg9: memref<16384xf32, #tpu.memory_space<hbm>>, %arg10: memref<4x128xi32, #tpu.memory_space<vmem>>, %arg11: memref<4x128xi32, #tpu.memory_space<vmem>>, %arg12: memref<4x128xi32, #tpu.memory_space<vmem>>, %arg13: memref<512x64xf32, #tpu.memory_space<vmem>>, %arg14: memref<512x64xf32, #tpu.memory_space<vmem>>, %arg15: memref<512xf32, #tpu.memory_space<vmem>>, %arg16: memref<512xf32, #tpu.memory_space<vmem>>, %arg17: memref<512xf32, #tpu.memory_space<vmem>>, %arg18: memref<16xf32, #tpu.memory_space<vmem>>, %arg19: memref<!tpu.dma_semaphore, #tpu.memory_space<semaphore_mem>>) attributes {dimension_semantics = [#tpu.dimension_semantics<core_parallel>, #tpu.dimension_semantics<subcore_parallel>], iteration_bounds = array<i64: 2, 16>, scalar_prefetch = 0 : i64, scratch_operands = 10 : i64, tpu.core_type = #tpu.core_type<sc_vector_subcore>, window_params = [{transform_indices = #map}, {transform_indices = #map}, {transform_indices = #map}, {transform_indices = #map}, {transform_indices = #map}, {transform_indices = #map1}, {transform_indices = #map1}, {transform_indices = #map1}]} {
    %mul3A = arith.constant 2 : i32
    %mul3A_0 = arith.muli %arg1, %mul3A : i32
    %add3A = arith.addi %mul3A_0, %arg0 : i32
    %mul3A_1 = arith.constant 512 : i32
    %mul3A_2 = arith.muli %add3A, %mul3A_1 : i32
    %mul3A_3 = arith.constant 4 : i32
    %mul3A_4 = arith.muli %add3A, %mul3A_3 : i32
    "tpu.region"() ({
      %run_scoped3A = tpu.sem_alloc : memref<!tpu.dma_semaphore, #tpu.memory_space<semaphore_mem>>
      %dma_start3A_313 = arith.constant 0 : i32
      %dma_start3A_314 = tpu.memref_slice %arg2[%mul3A_4, %dma_start3A_313] : memref<128x128xi32, #tpu.memory_space<hbm>> -> memref<4x128xi32, #tpu.memory_space<hbm>>
      %dma_start3A_315 = arith.constant 0 : i32
      %dma_start3A_316 = tpu.memref_slice %arg2[%mul3A_4, %dma_start3A_315] : memref<128x128xi32, #tpu.memory_space<hbm>> -> memref<4x128xi32, #tpu.memory_space<hbm>>
      tpu.enqueue_dma source(%dma_start3A_316 : memref<4x128xi32, #tpu.memory_space<hbm>>) target(%arg10 : memref<4x128xi32, #tpu.memory_space<vmem>>) target_semaphore(%run_scoped3A : memref<!tpu.dma_semaphore, #tpu.memory_space<semaphore_mem>>)
      %dma_wait3A_317 = arith.constant 0 : i32
      %dma_wait3A_318 = tpu.memref_slice %arg2[%mul3A_4, %dma_wait3A_317] : memref<128x128xi32, #tpu.memory_space<hbm>> -> memref<4x128xi32, #tpu.memory_space<hbm>>
      %dma_wait3A_319 = arith.constant 0 : i32
      %dma_wait3A_320 = tpu.memref_slice %arg2[%mul3A_4, %dma_wait3A_319] : memref<128x128xi32, #tpu.memory_space<hbm>> -> memref<4x128xi32, #tpu.memory_space<hbm>>
      tpu.wait_dma2 semaphore(%run_scoped3A : memref<!tpu.dma_semaphore, #tpu.memory_space<semaphore_mem>>) src(%dma_wait3A_320 : memref<4x128xi32, #tpu.memory_space<hbm>>) dst(%arg10 : memref<4x128xi32, #tpu.memory_space<vmem>>)
      tpu.yield
    }) : () -> ()
    %mul3A_5 = arith.constant 4 : i32
    %mul3A_6 = arith.muli %add3A, %mul3A_5 : i32
    "tpu.region"() ({
      %run_scoped3A = tpu.sem_alloc : memref<!tpu.dma_semaphore, #tpu.memory_space<semaphore_mem>>
      %dma_start3A_313 = arith.constant 0 : i32
      %dma_start3A_314 = tpu.memref_slice %arg3[%mul3A_6, %dma_start3A_313] : memref<128x128xi32, #tpu.memory_space<hbm>> -> memref<4x128xi32, #tpu.memory_space<hbm>>
      %dma_start3A_315 = arith.constant 0 : i32
      %dma_start3A_316 = tpu.memref_slice %arg3[%mul3A_6, %dma_start3A_315] : memref<128x128xi32, #tpu.memory_space<hbm>> -> memref<4x128xi32, #tpu.memory_space<hbm>>
      tpu.enqueue_dma source(%dma_start3A_316 : memref<4x128xi32, #tpu.memory_space<hbm>>) target(%arg11 : memref<4x128xi32, #tpu.memory_space<vmem>>) target_semaphore(%run_scoped3A : memref<!tpu.dma_semaphore, #tpu.memory_space<semaphore_mem>>)
      %dma_wait3A_317 = arith.constant 0 : i32
      %dma_wait3A_318 = tpu.memref_slice %arg3[%mul3A_6, %dma_wait3A_317] : memref<128x128xi32, #tpu.memory_space<hbm>> -> memref<4x128xi32, #tpu.memory_space<hbm>>
      %dma_wait3A_319 = arith.constant 0 : i32
      %dma_wait3A_320 = tpu.memref_slice %arg3[%mul3A_6, %dma_wait3A_319] : memref<128x128xi32, #tpu.memory_space<hbm>> -> memref<4x128xi32, #tpu.memory_space<hbm>>
      tpu.wait_dma2 semaphore(%run_scoped3A : memref<!tpu.dma_semaphore, #tpu.memory_space<semaphore_mem>>) src(%dma_wait3A_320 : memref<4x128xi32, #tpu.memory_space<hbm>>) dst(%arg11 : memref<4x128xi32, #tpu.memory_space<vmem>>)
      tpu.yield
    }) : () -> ()
    %mul3A_7 = arith.constant 4 : i32
    %mul3A_8 = arith.muli %add3A, %mul3A_7 : i32
    "tpu.region"() ({
      %run_scoped3A = tpu.sem_alloc : memref<!tpu.dma_semaphore, #tpu.memory_space<semaphore_mem>>
      %dma_start3A_313 = arith.constant 0 : i32
      %dma_start3A_314 = tpu.memref_slice %arg4[%mul3A_8, %dma_start3A_313] : memref<128x128xi32, #tpu.memory_space<hbm>> -> memref<4x128xi32, #tpu.memory_space<hbm>>
      %dma_start3A_315 = arith.constant 0 : i32
      %dma_start3A_316 = tpu.memref_slice %arg4[%mul3A_8, %dma_start3A_315] : memref<128x128xi32, #tpu.memory_space<hbm>> -> memref<4x128xi32, #tpu.memory_space<hbm>>
      tpu.enqueue_dma source(%dma_start3A_316 : memref<4x128xi32, #tpu.memory_space<hbm>>) target(%arg12 : memref<4x128xi32, #tpu.memory_space<vmem>>) target_semaphore(%run_scoped3A : memref<!tpu.dma_semaphore, #tpu.memory_space<semaphore_mem>>)
      %dma_wait3A_317 = arith.constant 0 : i32
      %dma_wait3A_318 = tpu.memref_slice %arg4[%mul3A_8, %dma_wait3A_317] : memref<128x128xi32, #tpu.memory_space<hbm>> -> memref<4x128xi32, #tpu.memory_space<hbm>>
      %dma_wait3A_319 = arith.constant 0 : i32
      %dma_wait3A_320 = tpu.memref_slice %arg4[%mul3A_8, %dma_wait3A_319] : memref<128x128xi32, #tpu.memory_space<hbm>> -> memref<4x128xi32, #tpu.memory_space<hbm>>
      tpu.wait_dma2 semaphore(%run_scoped3A : memref<!tpu.dma_semaphore, #tpu.memory_space<semaphore_mem>>) src(%dma_wait3A_320 : memref<4x128xi32, #tpu.memory_space<hbm>>) dst(%arg12 : memref<4x128xi32, #tpu.memory_space<vmem>>)
      tpu.yield
    }) : () -> ()
    "tpu.region"() ({
      %run_scoped3A = tpu.sem_alloc : memref<!tpu.dma_semaphore, #tpu.memory_space<semaphore_mem>>
      tpu.enqueue_dma source(%arg8 : memref<16xf32, #tpu.memory_space<hbm>>) target(%arg18 : memref<16xf32, #tpu.memory_space<vmem>>) target_semaphore(%run_scoped3A : memref<!tpu.dma_semaphore, #tpu.memory_space<semaphore_mem>>)
      tpu.wait_dma2 semaphore(%run_scoped3A : memref<!tpu.dma_semaphore, #tpu.memory_space<semaphore_mem>>) src(%arg8 : memref<16xf32, #tpu.memory_space<hbm>>) dst(%arg18 : memref<16xf32, #tpu.memory_space<vmem>>)
      tpu.yield
    }) : () -> ()
    %dma_start3A = arith.constant 0 : i32
    %dma_start3A_9 = arith.constant 0 : i32
    %dma_start3A_10 = arith.constant 0 : i32
    %dma_start3A_11 = tpu.memref_slice %arg13[%dma_start3A_9, %dma_start3A_10] : memref<512x64xf32, #tpu.memory_space<vmem>> -> memref<128x64xf32, #tpu.memory_space<vmem>>
    %dma_start3A_12 = arith.constant 0 : i32
    %dma_start3A_13 = tpu.memref_slice %arg10[%dma_start3A, %dma_start3A_12] : memref<4x128xi32, #tpu.memory_space<vmem>> -> memref<1x128xi32, #tpu.memory_space<vmem>>
    %dma_start3A_14 = tpu.memref_squeeze %dma_start3A_13 : memref<1x128xi32, #tpu.memory_space<vmem>> -> memref<128xi32, #tpu.memory_space<vmem>>
    %dma_start3A_15 = arith.constant 0 : i32
    %dma_start3A_16 = arith.constant 0 : i32
    %dma_start3A_17 = tpu.memref_slice %arg5[%dma_start3A_15, %dma_start3A_16] : memref<1000000x64xf32, #tpu.memory_space<hbm>> -> memref<1000000x64xf32, #tpu.memory_space<hbm>>
    tpu.enqueue_indirect_dma source(%dma_start3A_17 : memref<1000000x64xf32, #tpu.memory_space<hbm>>) target(%dma_start3A_11 : memref<128x64xf32, #tpu.memory_space<vmem>>) offsets(%dma_start3A_14 : memref<128xi32, #tpu.memory_space<vmem>>) semaphore(%arg19 : memref<!tpu.dma_semaphore, #tpu.memory_space<semaphore_mem>>)
    %dma_start3A_18 = arith.constant 0 : i32
    %dma_start3A_19 = arith.constant 0 : i32
    %dma_start3A_20 = arith.constant 0 : i32
    %dma_start3A_21 = tpu.memref_slice %arg14[%dma_start3A_19, %dma_start3A_20] : memref<512x64xf32, #tpu.memory_space<vmem>> -> memref<128x64xf32, #tpu.memory_space<vmem>>
    %dma_start3A_22 = arith.constant 0 : i32
    %dma_start3A_23 = tpu.memref_slice %arg11[%dma_start3A_18, %dma_start3A_22] : memref<4x128xi32, #tpu.memory_space<vmem>> -> memref<1x128xi32, #tpu.memory_space<vmem>>
    %dma_start3A_24 = tpu.memref_squeeze %dma_start3A_23 : memref<1x128xi32, #tpu.memory_space<vmem>> -> memref<128xi32, #tpu.memory_space<vmem>>
    %dma_start3A_25 = arith.constant 0 : i32
    %dma_start3A_26 = arith.constant 0 : i32
    %dma_start3A_27 = tpu.memref_slice %arg6[%dma_start3A_25, %dma_start3A_26] : memref<1000000x64xf32, #tpu.memory_space<hbm>> -> memref<1000000x64xf32, #tpu.memory_space<hbm>>
    tpu.enqueue_indirect_dma source(%dma_start3A_27 : memref<1000000x64xf32, #tpu.memory_space<hbm>>) target(%dma_start3A_21 : memref<128x64xf32, #tpu.memory_space<vmem>>) offsets(%dma_start3A_24 : memref<128xi32, #tpu.memory_space<vmem>>) semaphore(%arg19 : memref<!tpu.dma_semaphore, #tpu.memory_space<semaphore_mem>>)
    %dma_start3A_28 = arith.constant 0 : i32
    %dma_start3A_29 = arith.constant 0 : i32
    %dma_start3A_30 = tpu.memref_slice %arg15[%dma_start3A_29] : memref<512xf32, #tpu.memory_space<vmem>> -> memref<128xf32, #tpu.memory_space<vmem>>
    %dma_start3A_31 = arith.constant 0 : i32
    %dma_start3A_32 = tpu.memref_slice %arg10[%dma_start3A_28, %dma_start3A_31] : memref<4x128xi32, #tpu.memory_space<vmem>> -> memref<1x128xi32, #tpu.memory_space<vmem>>
    %dma_start3A_33 = tpu.memref_squeeze %dma_start3A_32 : memref<1x128xi32, #tpu.memory_space<vmem>> -> memref<128xi32, #tpu.memory_space<vmem>>
    %dma_start3A_34 = arith.constant 0 : i32
    %dma_start3A_35 = tpu.memref_slice %arg7[%dma_start3A_34] : memref<2000000xf32, #tpu.memory_space<hbm>> -> memref<2000000xf32, #tpu.memory_space<hbm>>
    tpu.enqueue_indirect_dma source(%dma_start3A_35 : memref<2000000xf32, #tpu.memory_space<hbm>>) target(%dma_start3A_30 : memref<128xf32, #tpu.memory_space<vmem>>) offsets(%dma_start3A_33 : memref<128xi32, #tpu.memory_space<vmem>>) semaphore(%arg19 : memref<!tpu.dma_semaphore, #tpu.memory_space<semaphore_mem>>)
    %dma_start3A_36 = arith.constant 0 : i32
    %dma_start3A_37 = arith.constant 0 : i32
    %dma_start3A_38 = tpu.memref_slice %arg16[%dma_start3A_37] : memref<512xf32, #tpu.memory_space<vmem>> -> memref<128xf32, #tpu.memory_space<vmem>>
    %dma_start3A_39 = arith.constant 0 : i32
    %dma_start3A_40 = tpu.memref_slice %arg12[%dma_start3A_36, %dma_start3A_39] : memref<4x128xi32, #tpu.memory_space<vmem>> -> memref<1x128xi32, #tpu.memory_space<vmem>>
    %dma_start3A_41 = tpu.memref_squeeze %dma_start3A_40 : memref<1x128xi32, #tpu.memory_space<vmem>> -> memref<128xi32, #tpu.memory_space<vmem>>
    %dma_start3A_42 = arith.constant 0 : i32
    %dma_start3A_43 = tpu.memref_slice %arg7[%dma_start3A_42] : memref<2000000xf32, #tpu.memory_space<hbm>> -> memref<2000000xf32, #tpu.memory_space<hbm>>
    tpu.enqueue_indirect_dma source(%dma_start3A_43 : memref<2000000xf32, #tpu.memory_space<hbm>>) target(%dma_start3A_38 : memref<128xf32, #tpu.memory_space<vmem>>) offsets(%dma_start3A_41 : memref<128xi32, #tpu.memory_space<vmem>>) semaphore(%arg19 : memref<!tpu.dma_semaphore, #tpu.memory_space<semaphore_mem>>)
    %dma_start3A_44 = arith.constant 1 : i32
    %dma_start3A_45 = arith.constant 128 : i32
    %dma_start3A_46 = arith.constant 0 : i32
    %dma_start3A_47 = tpu.memref_slice %arg13[%dma_start3A_45, %dma_start3A_46] : memref<512x64xf32, #tpu.memory_space<vmem>> -> memref<128x64xf32, #tpu.memory_space<vmem>>
    %dma_start3A_48 = arith.constant 0 : i32
    %dma_start3A_49 = tpu.memref_slice %arg10[%dma_start3A_44, %dma_start3A_48] : memref<4x128xi32, #tpu.memory_space<vmem>> -> memref<1x128xi32, #tpu.memory_space<vmem>>
    %dma_start3A_50 = tpu.memref_squeeze %dma_start3A_49 : memref<1x128xi32, #tpu.memory_space<vmem>> -> memref<128xi32, #tpu.memory_space<vmem>>
    %dma_start3A_51 = arith.constant 0 : i32
    %dma_start3A_52 = arith.constant 0 : i32
    %dma_start3A_53 = tpu.memref_slice %arg5[%dma_start3A_51, %dma_start3A_52] : memref<1000000x64xf32, #tpu.memory_space<hbm>> -> memref<1000000x64xf32, #tpu.memory_space<hbm>>
    tpu.enqueue_indirect_dma source(%dma_start3A_53 : memref<1000000x64xf32, #tpu.memory_space<hbm>>) target(%dma_start3A_47 : memref<128x64xf32, #tpu.memory_space<vmem>>) offsets(%dma_start3A_50 : memref<128xi32, #tpu.memory_space<vmem>>) semaphore(%arg19 : memref<!tpu.dma_semaphore, #tpu.memory_space<semaphore_mem>>)
    %dma_start3A_54 = arith.constant 1 : i32
    %dma_start3A_55 = arith.constant 128 : i32
    %dma_start3A_56 = arith.constant 0 : i32
    %dma_start3A_57 = tpu.memref_slice %arg14[%dma_start3A_55, %dma_start3A_56] : memref<512x64xf32, #tpu.memory_space<vmem>> -> memref<128x64xf32, #tpu.memory_space<vmem>>
    %dma_start3A_58 = arith.constant 0 : i32
    %dma_start3A_59 = tpu.memref_slice %arg11[%dma_start3A_54, %dma_start3A_58] : memref<4x128xi32, #tpu.memory_space<vmem>> -> memref<1x128xi32, #tpu.memory_space<vmem>>
    %dma_start3A_60 = tpu.memref_squeeze %dma_start3A_59 : memref<1x128xi32, #tpu.memory_space<vmem>> -> memref<128xi32, #tpu.memory_space<vmem>>
    %dma_start3A_61 = arith.constant 0 : i32
    %dma_start3A_62 = arith.constant 0 : i32
    %dma_start3A_63 = tpu.memref_slice %arg6[%dma_start3A_61, %dma_start3A_62] : memref<1000000x64xf32, #tpu.memory_space<hbm>> -> memref<1000000x64xf32, #tpu.memory_space<hbm>>
    tpu.enqueue_indirect_dma source(%dma_start3A_63 : memref<1000000x64xf32, #tpu.memory_space<hbm>>) target(%dma_start3A_57 : memref<128x64xf32, #tpu.memory_space<vmem>>) offsets(%dma_start3A_60 : memref<128xi32, #tpu.memory_space<vmem>>) semaphore(%arg19 : memref<!tpu.dma_semaphore, #tpu.memory_space<semaphore_mem>>)
    %dma_start3A_64 = arith.constant 1 : i32
    %dma_start3A_65 = arith.constant 128 : i32
    %dma_start3A_66 = tpu.memref_slice %arg15[%dma_start3A_65] : memref<512xf32, #tpu.memory_space<vmem>> -> memref<128xf32, #tpu.memory_space<vmem>>
    %dma_start3A_67 = arith.constant 0 : i32
    %dma_start3A_68 = tpu.memref_slice %arg10[%dma_start3A_64, %dma_start3A_67] : memref<4x128xi32, #tpu.memory_space<vmem>> -> memref<1x128xi32, #tpu.memory_space<vmem>>
    %dma_start3A_69 = tpu.memref_squeeze %dma_start3A_68 : memref<1x128xi32, #tpu.memory_space<vmem>> -> memref<128xi32, #tpu.memory_space<vmem>>
    %dma_start3A_70 = arith.constant 0 : i32
    %dma_start3A_71 = tpu.memref_slice %arg7[%dma_start3A_70] : memref<2000000xf32, #tpu.memory_space<hbm>> -> memref<2000000xf32, #tpu.memory_space<hbm>>
    tpu.enqueue_indirect_dma source(%dma_start3A_71 : memref<2000000xf32, #tpu.memory_space<hbm>>) target(%dma_start3A_66 : memref<128xf32, #tpu.memory_space<vmem>>) offsets(%dma_start3A_69 : memref<128xi32, #tpu.memory_space<vmem>>) semaphore(%arg19 : memref<!tpu.dma_semaphore, #tpu.memory_space<semaphore_mem>>)
    %dma_start3A_72 = arith.constant 1 : i32
    %dma_start3A_73 = arith.constant 128 : i32
    %dma_start3A_74 = tpu.memref_slice %arg16[%dma_start3A_73] : memref<512xf32, #tpu.memory_space<vmem>> -> memref<128xf32, #tpu.memory_space<vmem>>
    %dma_start3A_75 = arith.constant 0 : i32
    %dma_start3A_76 = tpu.memref_slice %arg12[%dma_start3A_72, %dma_start3A_75] : memref<4x128xi32, #tpu.memory_space<vmem>> -> memref<1x128xi32, #tpu.memory_space<vmem>>
    %dma_start3A_77 = tpu.memref_squeeze %dma_start3A_76 : memref<1x128xi32, #tpu.memory_space<vmem>> -> memref<128xi32, #tpu.memory_space<vmem>>
    %dma_start3A_78 = arith.constant 0 : i32
    %dma_start3A_79 = tpu.memref_slice %arg7[%dma_start3A_78] : memref<2000000xf32, #tpu.memory_space<hbm>> -> memref<2000000xf32, #tpu.memory_space<hbm>>
    tpu.enqueue_indirect_dma source(%dma_start3A_79 : memref<2000000xf32, #tpu.memory_space<hbm>>) target(%dma_start3A_74 : memref<128xf32, #tpu.memory_space<vmem>>) offsets(%dma_start3A_77 : memref<128xi32, #tpu.memory_space<vmem>>) semaphore(%arg19 : memref<!tpu.dma_semaphore, #tpu.memory_space<semaphore_mem>>)
    %dma_start3A_80 = arith.constant 2 : i32
    %dma_start3A_81 = arith.constant 256 : i32
    %dma_start3A_82 = arith.constant 0 : i32
    %dma_start3A_83 = tpu.memref_slice %arg13[%dma_start3A_81, %dma_start3A_82] : memref<512x64xf32, #tpu.memory_space<vmem>> -> memref<128x64xf32, #tpu.memory_space<vmem>>
    %dma_start3A_84 = arith.constant 0 : i32
    %dma_start3A_85 = tpu.memref_slice %arg10[%dma_start3A_80, %dma_start3A_84] : memref<4x128xi32, #tpu.memory_space<vmem>> -> memref<1x128xi32, #tpu.memory_space<vmem>>
    %dma_start3A_86 = tpu.memref_squeeze %dma_start3A_85 : memref<1x128xi32, #tpu.memory_space<vmem>> -> memref<128xi32, #tpu.memory_space<vmem>>
    %dma_start3A_87 = arith.constant 0 : i32
    %dma_start3A_88 = arith.constant 0 : i32
    %dma_start3A_89 = tpu.memref_slice %arg5[%dma_start3A_87, %dma_start3A_88] : memref<1000000x64xf32, #tpu.memory_space<hbm>> -> memref<1000000x64xf32, #tpu.memory_space<hbm>>
    tpu.enqueue_indirect_dma source(%dma_start3A_89 : memref<1000000x64xf32, #tpu.memory_space<hbm>>) target(%dma_start3A_83 : memref<128x64xf32, #tpu.memory_space<vmem>>) offsets(%dma_start3A_86 : memref<128xi32, #tpu.memory_space<vmem>>) semaphore(%arg19 : memref<!tpu.dma_semaphore, #tpu.memory_space<semaphore_mem>>)
    %dma_start3A_90 = arith.constant 2 : i32
    %dma_start3A_91 = arith.constant 256 : i32
    %dma_start3A_92 = arith.constant 0 : i32
    %dma_start3A_93 = tpu.memref_slice %arg14[%dma_start3A_91, %dma_start3A_92] : memref<512x64xf32, #tpu.memory_space<vmem>> -> memref<128x64xf32, #tpu.memory_space<vmem>>
    %dma_start3A_94 = arith.constant 0 : i32
    %dma_start3A_95 = tpu.memref_slice %arg11[%dma_start3A_90, %dma_start3A_94] : memref<4x128xi32, #tpu.memory_space<vmem>> -> memref<1x128xi32, #tpu.memory_space<vmem>>
    %dma_start3A_96 = tpu.memref_squeeze %dma_start3A_95 : memref<1x128xi32, #tpu.memory_space<vmem>> -> memref<128xi32, #tpu.memory_space<vmem>>
    %dma_start3A_97 = arith.constant 0 : i32
    %dma_start3A_98 = arith.constant 0 : i32
    %dma_start3A_99 = tpu.memref_slice %arg6[%dma_start3A_97, %dma_start3A_98] : memref<1000000x64xf32, #tpu.memory_space<hbm>> -> memref<1000000x64xf32, #tpu.memory_space<hbm>>
    tpu.enqueue_indirect_dma source(%dma_start3A_99 : memref<1000000x64xf32, #tpu.memory_space<hbm>>) target(%dma_start3A_93 : memref<128x64xf32, #tpu.memory_space<vmem>>) offsets(%dma_start3A_96 : memref<128xi32, #tpu.memory_space<vmem>>) semaphore(%arg19 : memref<!tpu.dma_semaphore, #tpu.memory_space<semaphore_mem>>)
    %dma_start3A_100 = arith.constant 2 : i32
    %dma_start3A_101 = arith.constant 256 : i32
    %dma_start3A_102 = tpu.memref_slice %arg15[%dma_start3A_101] : memref<512xf32, #tpu.memory_space<vmem>> -> memref<128xf32, #tpu.memory_space<vmem>>
    %dma_start3A_103 = arith.constant 0 : i32
    %dma_start3A_104 = tpu.memref_slice %arg10[%dma_start3A_100, %dma_start3A_103] : memref<4x128xi32, #tpu.memory_space<vmem>> -> memref<1x128xi32, #tpu.memory_space<vmem>>
    %dma_start3A_105 = tpu.memref_squeeze %dma_start3A_104 : memref<1x128xi32, #tpu.memory_space<vmem>> -> memref<128xi32, #tpu.memory_space<vmem>>
    %dma_start3A_106 = arith.constant 0 : i32
    %dma_start3A_107 = tpu.memref_slice %arg7[%dma_start3A_106] : memref<2000000xf32, #tpu.memory_space<hbm>> -> memref<2000000xf32, #tpu.memory_space<hbm>>
    tpu.enqueue_indirect_dma source(%dma_start3A_107 : memref<2000000xf32, #tpu.memory_space<hbm>>) target(%dma_start3A_102 : memref<128xf32, #tpu.memory_space<vmem>>) offsets(%dma_start3A_105 : memref<128xi32, #tpu.memory_space<vmem>>) semaphore(%arg19 : memref<!tpu.dma_semaphore, #tpu.memory_space<semaphore_mem>>)
    %dma_start3A_108 = arith.constant 2 : i32
    %dma_start3A_109 = arith.constant 256 : i32
    %dma_start3A_110 = tpu.memref_slice %arg16[%dma_start3A_109] : memref<512xf32, #tpu.memory_space<vmem>> -> memref<128xf32, #tpu.memory_space<vmem>>
    %dma_start3A_111 = arith.constant 0 : i32
    %dma_start3A_112 = tpu.memref_slice %arg12[%dma_start3A_108, %dma_start3A_111] : memref<4x128xi32, #tpu.memory_space<vmem>> -> memref<1x128xi32, #tpu.memory_space<vmem>>
    %dma_start3A_113 = tpu.memref_squeeze %dma_start3A_112 : memref<1x128xi32, #tpu.memory_space<vmem>> -> memref<128xi32, #tpu.memory_space<vmem>>
    %dma_start3A_114 = arith.constant 0 : i32
    %dma_start3A_115 = tpu.memref_slice %arg7[%dma_start3A_114] : memref<2000000xf32, #tpu.memory_space<hbm>> -> memref<2000000xf32, #tpu.memory_space<hbm>>
    tpu.enqueue_indirect_dma source(%dma_start3A_115 : memref<2000000xf32, #tpu.memory_space<hbm>>) target(%dma_start3A_110 : memref<128xf32, #tpu.memory_space<vmem>>) offsets(%dma_start3A_113 : memref<128xi32, #tpu.memory_space<vmem>>) semaphore(%arg19 : memref<!tpu.dma_semaphore, #tpu.memory_space<semaphore_mem>>)
    %dma_start3A_116 = arith.constant 3 : i32
    %dma_start3A_117 = arith.constant 384 : i32
    %dma_start3A_118 = arith.constant 0 : i32
    %dma_start3A_119 = tpu.memref_slice %arg13[%dma_start3A_117, %dma_start3A_118] : memref<512x64xf32, #tpu.memory_space<vmem>> -> memref<128x64xf32, #tpu.memory_space<vmem>>
    %dma_start3A_120 = arith.constant 0 : i32
    %dma_start3A_121 = tpu.memref_slice %arg10[%dma_start3A_116, %dma_start3A_120] : memref<4x128xi32, #tpu.memory_space<vmem>> -> memref<1x128xi32, #tpu.memory_space<vmem>>
    %dma_start3A_122 = tpu.memref_squeeze %dma_start3A_121 : memref<1x128xi32, #tpu.memory_space<vmem>> -> memref<128xi32, #tpu.memory_space<vmem>>
    %dma_start3A_123 = arith.constant 0 : i32
    %dma_start3A_124 = arith.constant 0 : i32
    %dma_start3A_125 = tpu.memref_slice %arg5[%dma_start3A_123, %dma_start3A_124] : memref<1000000x64xf32, #tpu.memory_space<hbm>> -> memref<1000000x64xf32, #tpu.memory_space<hbm>>
    tpu.enqueue_indirect_dma source(%dma_start3A_125 : memref<1000000x64xf32, #tpu.memory_space<hbm>>) target(%dma_start3A_119 : memref<128x64xf32, #tpu.memory_space<vmem>>) offsets(%dma_start3A_122 : memref<128xi32, #tpu.memory_space<vmem>>) semaphore(%arg19 : memref<!tpu.dma_semaphore, #tpu.memory_space<semaphore_mem>>)
    %dma_start3A_126 = arith.constant 3 : i32
    %dma_start3A_127 = arith.constant 384 : i32
    %dma_start3A_128 = arith.constant 0 : i32
    %dma_start3A_129 = tpu.memref_slice %arg14[%dma_start3A_127, %dma_start3A_128] : memref<512x64xf32, #tpu.memory_space<vmem>> -> memref<128x64xf32, #tpu.memory_space<vmem>>
    %dma_start3A_130 = arith.constant 0 : i32
    %dma_start3A_131 = tpu.memref_slice %arg11[%dma_start3A_126, %dma_start3A_130] : memref<4x128xi32, #tpu.memory_space<vmem>> -> memref<1x128xi32, #tpu.memory_space<vmem>>
    %dma_start3A_132 = tpu.memref_squeeze %dma_start3A_131 : memref<1x128xi32, #tpu.memory_space<vmem>> -> memref<128xi32, #tpu.memory_space<vmem>>
    %dma_start3A_133 = arith.constant 0 : i32
    %dma_start3A_134 = arith.constant 0 : i32
    %dma_start3A_135 = tpu.memref_slice %arg6[%dma_start3A_133, %dma_start3A_134] : memref<1000000x64xf32, #tpu.memory_space<hbm>> -> memref<1000000x64xf32, #tpu.memory_space<hbm>>
    tpu.enqueue_indirect_dma source(%dma_start3A_135 : memref<1000000x64xf32, #tpu.memory_space<hbm>>) target(%dma_start3A_129 : memref<128x64xf32, #tpu.memory_space<vmem>>) offsets(%dma_start3A_132 : memref<128xi32, #tpu.memory_space<vmem>>) semaphore(%arg19 : memref<!tpu.dma_semaphore, #tpu.memory_space<semaphore_mem>>)
    %dma_start3A_136 = arith.constant 3 : i32
    %dma_start3A_137 = arith.constant 384 : i32
    %dma_start3A_138 = tpu.memref_slice %arg15[%dma_start3A_137] : memref<512xf32, #tpu.memory_space<vmem>> -> memref<128xf32, #tpu.memory_space<vmem>>
    %dma_start3A_139 = arith.constant 0 : i32
    %dma_start3A_140 = tpu.memref_slice %arg10[%dma_start3A_136, %dma_start3A_139] : memref<4x128xi32, #tpu.memory_space<vmem>> -> memref<1x128xi32, #tpu.memory_space<vmem>>
    %dma_start3A_141 = tpu.memref_squeeze %dma_start3A_140 : memref<1x128xi32, #tpu.memory_space<vmem>> -> memref<128xi32, #tpu.memory_space<vmem>>
    %dma_start3A_142 = arith.constant 0 : i32
    %dma_start3A_143 = tpu.memref_slice %arg7[%dma_start3A_142] : memref<2000000xf32, #tpu.memory_space<hbm>> -> memref<2000000xf32, #tpu.memory_space<hbm>>
    tpu.enqueue_indirect_dma source(%dma_start3A_143 : memref<2000000xf32, #tpu.memory_space<hbm>>) target(%dma_start3A_138 : memref<128xf32, #tpu.memory_space<vmem>>) offsets(%dma_start3A_141 : memref<128xi32, #tpu.memory_space<vmem>>) semaphore(%arg19 : memref<!tpu.dma_semaphore, #tpu.memory_space<semaphore_mem>>)
    %dma_start3A_144 = arith.constant 3 : i32
    %dma_start3A_145 = arith.constant 384 : i32
    %dma_start3A_146 = tpu.memref_slice %arg16[%dma_start3A_145] : memref<512xf32, #tpu.memory_space<vmem>> -> memref<128xf32, #tpu.memory_space<vmem>>
    %dma_start3A_147 = arith.constant 0 : i32
    %dma_start3A_148 = tpu.memref_slice %arg12[%dma_start3A_144, %dma_start3A_147] : memref<4x128xi32, #tpu.memory_space<vmem>> -> memref<1x128xi32, #tpu.memory_space<vmem>>
    %dma_start3A_149 = tpu.memref_squeeze %dma_start3A_148 : memref<1x128xi32, #tpu.memory_space<vmem>> -> memref<128xi32, #tpu.memory_space<vmem>>
    %dma_start3A_150 = arith.constant 0 : i32
    %dma_start3A_151 = tpu.memref_slice %arg7[%dma_start3A_150] : memref<2000000xf32, #tpu.memory_space<hbm>> -> memref<2000000xf32, #tpu.memory_space<hbm>>
    tpu.enqueue_indirect_dma source(%dma_start3A_151 : memref<2000000xf32, #tpu.memory_space<hbm>>) target(%dma_start3A_146 : memref<128xf32, #tpu.memory_space<vmem>>) offsets(%dma_start3A_149 : memref<128xi32, #tpu.memory_space<vmem>>) semaphore(%arg19 : memref<!tpu.dma_semaphore, #tpu.memory_space<semaphore_mem>>)
    %dma_wait3A = arith.constant 0 : i32
    %dma_wait3A_152 = arith.constant 0 : i32
    %dma_wait3A_153 = arith.constant 0 : i32
    %dma_wait3A_154 = tpu.memref_slice %arg13[%dma_wait3A_152, %dma_wait3A_153] : memref<512x64xf32, #tpu.memory_space<vmem>> -> memref<128x64xf32, #tpu.memory_space<vmem>>
    %dma_wait3A_155 = arith.constant 0 : i32
    %dma_wait3A_156 = tpu.memref_slice %arg10[%dma_wait3A, %dma_wait3A_155] : memref<4x128xi32, #tpu.memory_space<vmem>> -> memref<1x128xi32, #tpu.memory_space<vmem>>
    %dma_wait3A_157 = tpu.memref_squeeze %dma_wait3A_156 : memref<1x128xi32, #tpu.memory_space<vmem>> -> memref<128xi32, #tpu.memory_space<vmem>>
    %dma_wait3A_158 = arith.constant 0 : i32
    %dma_wait3A_159 = arith.constant 0 : i32
    %dma_wait3A_160 = tpu.memref_slice %arg5[%dma_wait3A_158, %dma_wait3A_159] : memref<1000000x64xf32, #tpu.memory_space<hbm>> -> memref<1000000x64xf32, #tpu.memory_space<hbm>>
    tpu.wait_indirect_dma semaphore(%arg19 : memref<!tpu.dma_semaphore, #tpu.memory_space<semaphore_mem>>) src(%dma_wait3A_160 : memref<1000000x64xf32, #tpu.memory_space<hbm>>) dst(%dma_wait3A_154 : memref<128x64xf32, #tpu.memory_space<vmem>>)
    %dma_wait3A_161 = arith.constant 0 : i32
    %dma_wait3A_162 = arith.constant 0 : i32
    %dma_wait3A_163 = arith.constant 0 : i32
    %dma_wait3A_164 = tpu.memref_slice %arg14[%dma_wait3A_162, %dma_wait3A_163] : memref<512x64xf32, #tpu.memory_space<vmem>> -> memref<128x64xf32, #tpu.memory_space<vmem>>
    %dma_wait3A_165 = arith.constant 0 : i32
    %dma_wait3A_166 = tpu.memref_slice %arg11[%dma_wait3A_161, %dma_wait3A_165] : memref<4x128xi32, #tpu.memory_space<vmem>> -> memref<1x128xi32, #tpu.memory_space<vmem>>
    %dma_wait3A_167 = tpu.memref_squeeze %dma_wait3A_166 : memref<1x128xi32, #tpu.memory_space<vmem>> -> memref<128xi32, #tpu.memory_space<vmem>>
    %dma_wait3A_168 = arith.constant 0 : i32
    %dma_wait3A_169 = arith.constant 0 : i32
    %dma_wait3A_170 = tpu.memref_slice %arg6[%dma_wait3A_168, %dma_wait3A_169] : memref<1000000x64xf32, #tpu.memory_space<hbm>> -> memref<1000000x64xf32, #tpu.memory_space<hbm>>
    tpu.wait_indirect_dma semaphore(%arg19 : memref<!tpu.dma_semaphore, #tpu.memory_space<semaphore_mem>>) src(%dma_wait3A_170 : memref<1000000x64xf32, #tpu.memory_space<hbm>>) dst(%dma_wait3A_164 : memref<128x64xf32, #tpu.memory_space<vmem>>)
    %dma_wait3A_171 = arith.constant 0 : i32
    %dma_wait3A_172 = arith.constant 0 : i32
    %dma_wait3A_173 = tpu.memref_slice %arg15[%dma_wait3A_172] : memref<512xf32, #tpu.memory_space<vmem>> -> memref<128xf32, #tpu.memory_space<vmem>>
    %dma_wait3A_174 = arith.constant 0 : i32
    %dma_wait3A_175 = tpu.memref_slice %arg10[%dma_wait3A_171, %dma_wait3A_174] : memref<4x128xi32, #tpu.memory_space<vmem>> -> memref<1x128xi32, #tpu.memory_space<vmem>>
    %dma_wait3A_176 = tpu.memref_squeeze %dma_wait3A_175 : memref<1x128xi32, #tpu.memory_space<vmem>> -> memref<128xi32, #tpu.memory_space<vmem>>
    %dma_wait3A_177 = arith.constant 0 : i32
    %dma_wait3A_178 = tpu.memref_slice %arg7[%dma_wait3A_177] : memref<2000000xf32, #tpu.memory_space<hbm>> -> memref<2000000xf32, #tpu.memory_space<hbm>>
    tpu.wait_indirect_dma semaphore(%arg19 : memref<!tpu.dma_semaphore, #tpu.memory_space<semaphore_mem>>) src(%dma_wait3A_178 : memref<2000000xf32, #tpu.memory_space<hbm>>) dst(%dma_wait3A_173 : memref<128xf32, #tpu.memory_space<vmem>>)
    %dma_wait3A_179 = arith.constant 0 : i32
    %dma_wait3A_180 = arith.constant 0 : i32
    %dma_wait3A_181 = tpu.memref_slice %arg16[%dma_wait3A_180] : memref<512xf32, #tpu.memory_space<vmem>> -> memref<128xf32, #tpu.memory_space<vmem>>
    %dma_wait3A_182 = arith.constant 0 : i32
    %dma_wait3A_183 = tpu.memref_slice %arg12[%dma_wait3A_179, %dma_wait3A_182] : memref<4x128xi32, #tpu.memory_space<vmem>> -> memref<1x128xi32, #tpu.memory_space<vmem>>
    %dma_wait3A_184 = tpu.memref_squeeze %dma_wait3A_183 : memref<1x128xi32, #tpu.memory_space<vmem>> -> memref<128xi32, #tpu.memory_space<vmem>>
    %dma_wait3A_185 = arith.constant 0 : i32
    %dma_wait3A_186 = tpu.memref_slice %arg7[%dma_wait3A_185] : memref<2000000xf32, #tpu.memory_space<hbm>> -> memref<2000000xf32, #tpu.memory_space<hbm>>
    tpu.wait_indirect_dma semaphore(%arg19 : memref<!tpu.dma_semaphore, #tpu.memory_space<semaphore_mem>>) src(%dma_wait3A_186 : memref<2000000xf32, #tpu.memory_space<hbm>>) dst(%dma_wait3A_181 : memref<128xf32, #tpu.memory_space<vmem>>)
    %dma_wait3A_187 = arith.constant 1 : i32
    %dma_wait3A_188 = arith.constant 128 : i32
    %dma_wait3A_189 = arith.constant 0 : i32
    %dma_wait3A_190 = tpu.memref_slice %arg13[%dma_wait3A_188, %dma_wait3A_189] : memref<512x64xf32, #tpu.memory_space<vmem>> -> memref<128x64xf32, #tpu.memory_space<vmem>>
    %dma_wait3A_191 = arith.constant 0 : i32
    %dma_wait3A_192 = tpu.memref_slice %arg10[%dma_wait3A_187, %dma_wait3A_191] : memref<4x128xi32, #tpu.memory_space<vmem>> -> memref<1x128xi32, #tpu.memory_space<vmem>>
    %dma_wait3A_193 = tpu.memref_squeeze %dma_wait3A_192 : memref<1x128xi32, #tpu.memory_space<vmem>> -> memref<128xi32, #tpu.memory_space<vmem>>
    %dma_wait3A_194 = arith.constant 0 : i32
    %dma_wait3A_195 = arith.constant 0 : i32
    %dma_wait3A_196 = tpu.memref_slice %arg5[%dma_wait3A_194, %dma_wait3A_195] : memref<1000000x64xf32, #tpu.memory_space<hbm>> -> memref<1000000x64xf32, #tpu.memory_space<hbm>>
    tpu.wait_indirect_dma semaphore(%arg19 : memref<!tpu.dma_semaphore, #tpu.memory_space<semaphore_mem>>) src(%dma_wait3A_196 : memref<1000000x64xf32, #tpu.memory_space<hbm>>) dst(%dma_wait3A_190 : memref<128x64xf32, #tpu.memory_space<vmem>>)
    %dma_wait3A_197 = arith.constant 1 : i32
    %dma_wait3A_198 = arith.constant 128 : i32
    %dma_wait3A_199 = arith.constant 0 : i32
    %dma_wait3A_200 = tpu.memref_slice %arg14[%dma_wait3A_198, %dma_wait3A_199] : memref<512x64xf32, #tpu.memory_space<vmem>> -> memref<128x64xf32, #tpu.memory_space<vmem>>
    %dma_wait3A_201 = arith.constant 0 : i32
    %dma_wait3A_202 = tpu.memref_slice %arg11[%dma_wait3A_197, %dma_wait3A_201] : memref<4x128xi32, #tpu.memory_space<vmem>> -> memref<1x128xi32, #tpu.memory_space<vmem>>
    %dma_wait3A_203 = tpu.memref_squeeze %dma_wait3A_202 : memref<1x128xi32, #tpu.memory_space<vmem>> -> memref<128xi32, #tpu.memory_space<vmem>>
    %dma_wait3A_204 = arith.constant 0 : i32
    %dma_wait3A_205 = arith.constant 0 : i32
    %dma_wait3A_206 = tpu.memref_slice %arg6[%dma_wait3A_204, %dma_wait3A_205] : memref<1000000x64xf32, #tpu.memory_space<hbm>> -> memref<1000000x64xf32, #tpu.memory_space<hbm>>
    tpu.wait_indirect_dma semaphore(%arg19 : memref<!tpu.dma_semaphore, #tpu.memory_space<semaphore_mem>>) src(%dma_wait3A_206 : memref<1000000x64xf32, #tpu.memory_space<hbm>>) dst(%dma_wait3A_200 : memref<128x64xf32, #tpu.memory_space<vmem>>)
    %dma_wait3A_207 = arith.constant 1 : i32
    %dma_wait3A_208 = arith.constant 128 : i32
    %dma_wait3A_209 = tpu.memref_slice %arg15[%dma_wait3A_208] : memref<512xf32, #tpu.memory_space<vmem>> -> memref<128xf32, #tpu.memory_space<vmem>>
    %dma_wait3A_210 = arith.constant 0 : i32
    %dma_wait3A_211 = tpu.memref_slice %arg10[%dma_wait3A_207, %dma_wait3A_210] : memref<4x128xi32, #tpu.memory_space<vmem>> -> memref<1x128xi32, #tpu.memory_space<vmem>>
    %dma_wait3A_212 = tpu.memref_squeeze %dma_wait3A_211 : memref<1x128xi32, #tpu.memory_space<vmem>> -> memref<128xi32, #tpu.memory_space<vmem>>
    %dma_wait3A_213 = arith.constant 0 : i32
    %dma_wait3A_214 = tpu.memref_slice %arg7[%dma_wait3A_213] : memref<2000000xf32, #tpu.memory_space<hbm>> -> memref<2000000xf32, #tpu.memory_space<hbm>>
    tpu.wait_indirect_dma semaphore(%arg19 : memref<!tpu.dma_semaphore, #tpu.memory_space<semaphore_mem>>) src(%dma_wait3A_214 : memref<2000000xf32, #tpu.memory_space<hbm>>) dst(%dma_wait3A_209 : memref<128xf32, #tpu.memory_space<vmem>>)
    %dma_wait3A_215 = arith.constant 1 : i32
    %dma_wait3A_216 = arith.constant 128 : i32
    %dma_wait3A_217 = tpu.memref_slice %arg16[%dma_wait3A_216] : memref<512xf32, #tpu.memory_space<vmem>> -> memref<128xf32, #tpu.memory_space<vmem>>
    %dma_wait3A_218 = arith.constant 0 : i32
    %dma_wait3A_219 = tpu.memref_slice %arg12[%dma_wait3A_215, %dma_wait3A_218] : memref<4x128xi32, #tpu.memory_space<vmem>> -> memref<1x128xi32, #tpu.memory_space<vmem>>
    %dma_wait3A_220 = tpu.memref_squeeze %dma_wait3A_219 : memref<1x128xi32, #tpu.memory_space<vmem>> -> memref<128xi32, #tpu.memory_space<vmem>>
    %dma_wait3A_221 = arith.constant 0 : i32
    %dma_wait3A_222 = tpu.memref_slice %arg7[%dma_wait3A_221] : memref<2000000xf32, #tpu.memory_space<hbm>> -> memref<2000000xf32, #tpu.memory_space<hbm>>
    tpu.wait_indirect_dma semaphore(%arg19 : memref<!tpu.dma_semaphore, #tpu.memory_space<semaphore_mem>>) src(%dma_wait3A_222 : memref<2000000xf32, #tpu.memory_space<hbm>>) dst(%dma_wait3A_217 : memref<128xf32, #tpu.memory_space<vmem>>)
    %dma_wait3A_223 = arith.constant 2 : i32
    %dma_wait3A_224 = arith.constant 256 : i32
    %dma_wait3A_225 = arith.constant 0 : i32
    %dma_wait3A_226 = tpu.memref_slice %arg13[%dma_wait3A_224, %dma_wait3A_225] : memref<512x64xf32, #tpu.memory_space<vmem>> -> memref<128x64xf32, #tpu.memory_space<vmem>>
    %dma_wait3A_227 = arith.constant 0 : i32
    %dma_wait3A_228 = tpu.memref_slice %arg10[%dma_wait3A_223, %dma_wait3A_227] : memref<4x128xi32, #tpu.memory_space<vmem>> -> memref<1x128xi32, #tpu.memory_space<vmem>>
    %dma_wait3A_229 = tpu.memref_squeeze %dma_wait3A_228 : memref<1x128xi32, #tpu.memory_space<vmem>> -> memref<128xi32, #tpu.memory_space<vmem>>
    %dma_wait3A_230 = arith.constant 0 : i32
    %dma_wait3A_231 = arith.constant 0 : i32
    %dma_wait3A_232 = tpu.memref_slice %arg5[%dma_wait3A_230, %dma_wait3A_231] : memref<1000000x64xf32, #tpu.memory_space<hbm>> -> memref<1000000x64xf32, #tpu.memory_space<hbm>>
    tpu.wait_indirect_dma semaphore(%arg19 : memref<!tpu.dma_semaphore, #tpu.memory_space<semaphore_mem>>) src(%dma_wait3A_232 : memref<1000000x64xf32, #tpu.memory_space<hbm>>) dst(%dma_wait3A_226 : memref<128x64xf32, #tpu.memory_space<vmem>>)
    %dma_wait3A_233 = arith.constant 2 : i32
    %dma_wait3A_234 = arith.constant 256 : i32
    %dma_wait3A_235 = arith.constant 0 : i32
    %dma_wait3A_236 = tpu.memref_slice %arg14[%dma_wait3A_234, %dma_wait3A_235] : memref<512x64xf32, #tpu.memory_space<vmem>> -> memref<128x64xf32, #tpu.memory_space<vmem>>
    %dma_wait3A_237 = arith.constant 0 : i32
    %dma_wait3A_238 = tpu.memref_slice %arg11[%dma_wait3A_233, %dma_wait3A_237] : memref<4x128xi32, #tpu.memory_space<vmem>> -> memref<1x128xi32, #tpu.memory_space<vmem>>
    %dma_wait3A_239 = tpu.memref_squeeze %dma_wait3A_238 : memref<1x128xi32, #tpu.memory_space<vmem>> -> memref<128xi32, #tpu.memory_space<vmem>>
    %dma_wait3A_240 = arith.constant 0 : i32
    %dma_wait3A_241 = arith.constant 0 : i32
    %dma_wait3A_242 = tpu.memref_slice %arg6[%dma_wait3A_240, %dma_wait3A_241] : memref<1000000x64xf32, #tpu.memory_space<hbm>> -> memref<1000000x64xf32, #tpu.memory_space<hbm>>
    tpu.wait_indirect_dma semaphore(%arg19 : memref<!tpu.dma_semaphore, #tpu.memory_space<semaphore_mem>>) src(%dma_wait3A_242 : memref<1000000x64xf32, #tpu.memory_space<hbm>>) dst(%dma_wait3A_236 : memref<128x64xf32, #tpu.memory_space<vmem>>)
    %dma_wait3A_243 = arith.constant 2 : i32
    %dma_wait3A_244 = arith.constant 256 : i32
    %dma_wait3A_245 = tpu.memref_slice %arg15[%dma_wait3A_244] : memref<512xf32, #tpu.memory_space<vmem>> -> memref<128xf32, #tpu.memory_space<vmem>>
    %dma_wait3A_246 = arith.constant 0 : i32
    %dma_wait3A_247 = tpu.memref_slice %arg10[%dma_wait3A_243, %dma_wait3A_246] : memref<4x128xi32, #tpu.memory_space<vmem>> -> memref<1x128xi32, #tpu.memory_space<vmem>>
    %dma_wait3A_248 = tpu.memref_squeeze %dma_wait3A_247 : memref<1x128xi32, #tpu.memory_space<vmem>> -> memref<128xi32, #tpu.memory_space<vmem>>
    %dma_wait3A_249 = arith.constant 0 : i32
    %dma_wait3A_250 = tpu.memref_slice %arg7[%dma_wait3A_249] : memref<2000000xf32, #tpu.memory_space<hbm>> -> memref<2000000xf32, #tpu.memory_space<hbm>>
    tpu.wait_indirect_dma semaphore(%arg19 : memref<!tpu.dma_semaphore, #tpu.memory_space<semaphore_mem>>) src(%dma_wait3A_250 : memref<2000000xf32, #tpu.memory_space<hbm>>) dst(%dma_wait3A_245 : memref<128xf32, #tpu.memory_space<vmem>>)
    %dma_wait3A_251 = arith.constant 2 : i32
    %dma_wait3A_252 = arith.constant 256 : i32
    %dma_wait3A_253 = tpu.memref_slice %arg16[%dma_wait3A_252] : memref<512xf32, #tpu.memory_space<vmem>> -> memref<128xf32, #tpu.memory_space<vmem>>
    %dma_wait3A_254 = arith.constant 0 : i32
    %dma_wait3A_255 = tpu.memref_slice %arg12[%dma_wait3A_251, %dma_wait3A_254] : memref<4x128xi32, #tpu.memory_space<vmem>> -> memref<1x128xi32, #tpu.memory_space<vmem>>
    %dma_wait3A_256 = tpu.memref_squeeze %dma_wait3A_255 : memref<1x128xi32, #tpu.memory_space<vmem>> -> memref<128xi32, #tpu.memory_space<vmem>>
    %dma_wait3A_257 = arith.constant 0 : i32
    %dma_wait3A_258 = tpu.memref_slice %arg7[%dma_wait3A_257] : memref<2000000xf32, #tpu.memory_space<hbm>> -> memref<2000000xf32, #tpu.memory_space<hbm>>
    tpu.wait_indirect_dma semaphore(%arg19 : memref<!tpu.dma_semaphore, #tpu.memory_space<semaphore_mem>>) src(%dma_wait3A_258 : memref<2000000xf32, #tpu.memory_space<hbm>>) dst(%dma_wait3A_253 : memref<128xf32, #tpu.memory_space<vmem>>)
    %dma_wait3A_259 = arith.constant 3 : i32
    %dma_wait3A_260 = arith.constant 384 : i32
    %dma_wait3A_261 = arith.constant 0 : i32
    %dma_wait3A_262 = tpu.memref_slice %arg13[%dma_wait3A_260, %dma_wait3A_261] : memref<512x64xf32, #tpu.memory_space<vmem>> -> memref<128x64xf32, #tpu.memory_space<vmem>>
    %dma_wait3A_263 = arith.constant 0 : i32
    %dma_wait3A_264 = tpu.memref_slice %arg10[%dma_wait3A_259, %dma_wait3A_263] : memref<4x128xi32, #tpu.memory_space<vmem>> -> memref<1x128xi32, #tpu.memory_space<vmem>>
    %dma_wait3A_265 = tpu.memref_squeeze %dma_wait3A_264 : memref<1x128xi32, #tpu.memory_space<vmem>> -> memref<128xi32, #tpu.memory_space<vmem>>
    %dma_wait3A_266 = arith.constant 0 : i32
    %dma_wait3A_267 = arith.constant 0 : i32
    %dma_wait3A_268 = tpu.memref_slice %arg5[%dma_wait3A_266, %dma_wait3A_267] : memref<1000000x64xf32, #tpu.memory_space<hbm>> -> memref<1000000x64xf32, #tpu.memory_space<hbm>>
    tpu.wait_indirect_dma semaphore(%arg19 : memref<!tpu.dma_semaphore, #tpu.memory_space<semaphore_mem>>) src(%dma_wait3A_268 : memref<1000000x64xf32, #tpu.memory_space<hbm>>) dst(%dma_wait3A_262 : memref<128x64xf32, #tpu.memory_space<vmem>>)
    %dma_wait3A_269 = arith.constant 3 : i32
    %dma_wait3A_270 = arith.constant 384 : i32
    %dma_wait3A_271 = arith.constant 0 : i32
    %dma_wait3A_272 = tpu.memref_slice %arg14[%dma_wait3A_270, %dma_wait3A_271] : memref<512x64xf32, #tpu.memory_space<vmem>> -> memref<128x64xf32, #tpu.memory_space<vmem>>
    %dma_wait3A_273 = arith.constant 0 : i32
    %dma_wait3A_274 = tpu.memref_slice %arg11[%dma_wait3A_269, %dma_wait3A_273] : memref<4x128xi32, #tpu.memory_space<vmem>> -> memref<1x128xi32, #tpu.memory_space<vmem>>
    %dma_wait3A_275 = tpu.memref_squeeze %dma_wait3A_274 : memref<1x128xi32, #tpu.memory_space<vmem>> -> memref<128xi32, #tpu.memory_space<vmem>>
    %dma_wait3A_276 = arith.constant 0 : i32
    %dma_wait3A_277 = arith.constant 0 : i32
    %dma_wait3A_278 = tpu.memref_slice %arg6[%dma_wait3A_276, %dma_wait3A_277] : memref<1000000x64xf32, #tpu.memory_space<hbm>> -> memref<1000000x64xf32, #tpu.memory_space<hbm>>
    tpu.wait_indirect_dma semaphore(%arg19 : memref<!tpu.dma_semaphore, #tpu.memory_space<semaphore_mem>>) src(%dma_wait3A_278 : memref<1000000x64xf32, #tpu.memory_space<hbm>>) dst(%dma_wait3A_272 : memref<128x64xf32, #tpu.memory_space<vmem>>)
    %dma_wait3A_279 = arith.constant 3 : i32
    %dma_wait3A_280 = arith.constant 384 : i32
    %dma_wait3A_281 = tpu.memref_slice %arg15[%dma_wait3A_280] : memref<512xf32, #tpu.memory_space<vmem>> -> memref<128xf32, #tpu.memory_space<vmem>>
    %dma_wait3A_282 = arith.constant 0 : i32
    %dma_wait3A_283 = tpu.memref_slice %arg10[%dma_wait3A_279, %dma_wait3A_282] : memref<4x128xi32, #tpu.memory_space<vmem>> -> memref<1x128xi32, #tpu.memory_space<vmem>>
    %dma_wait3A_284 = tpu.memref_squeeze %dma_wait3A_283 : memref<1x128xi32, #tpu.memory_space<vmem>> -> memref<128xi32, #tpu.memory_space<vmem>>
    %dma_wait3A_285 = arith.constant 0 : i32
    %dma_wait3A_286 = tpu.memref_slice %arg7[%dma_wait3A_285] : memref<2000000xf32, #tpu.memory_space<hbm>> -> memref<2000000xf32, #tpu.memory_space<hbm>>
    tpu.wait_indirect_dma semaphore(%arg19 : memref<!tpu.dma_semaphore, #tpu.memory_space<semaphore_mem>>) src(%dma_wait3A_286 : memref<2000000xf32, #tpu.memory_space<hbm>>) dst(%dma_wait3A_281 : memref<128xf32, #tpu.memory_space<vmem>>)
    %dma_wait3A_287 = arith.constant 3 : i32
    %dma_wait3A_288 = arith.constant 384 : i32
    %dma_wait3A_289 = tpu.memref_slice %arg16[%dma_wait3A_288] : memref<512xf32, #tpu.memory_space<vmem>> -> memref<128xf32, #tpu.memory_space<vmem>>
    %dma_wait3A_290 = arith.constant 0 : i32
    %dma_wait3A_291 = tpu.memref_slice %arg12[%dma_wait3A_287, %dma_wait3A_290] : memref<4x128xi32, #tpu.memory_space<vmem>> -> memref<1x128xi32, #tpu.memory_space<vmem>>
    %dma_wait3A_292 = tpu.memref_squeeze %dma_wait3A_291 : memref<1x128xi32, #tpu.memory_space<vmem>> -> memref<128xi32, #tpu.memory_space<vmem>>
    %dma_wait3A_293 = arith.constant 0 : i32
    %dma_wait3A_294 = tpu.memref_slice %arg7[%dma_wait3A_293] : memref<2000000xf32, #tpu.memory_space<hbm>> -> memref<2000000xf32, #tpu.memory_space<hbm>>
    tpu.wait_indirect_dma semaphore(%arg19 : memref<!tpu.dma_semaphore, #tpu.memory_space<semaphore_mem>>) src(%dma_wait3A_294 : memref<2000000xf32, #tpu.memory_space<hbm>>) dst(%dma_wait3A_289 : memref<128xf32, #tpu.memory_space<vmem>>)
    %get3A = arith.constant 0 : index
    %get3A_295 = tpu.vector_load %arg18[%get3A] {strides = array<i32>} : memref<16xf32, #tpu.memory_space<vmem>>, vector<16xf32>,
    %get3A_296 = vector.shape_cast %get3A_295 : vector<16xf32> to vector<16xf32>
    %iota3A = tpu.iota {dimensions = array<i32: 0>} : vector<16xi32>
    %xor3A = arith.constant 8 : i32
    %xor3A_297 = vector.broadcast %xor3A : i32 to vector<16xi32>
    %xor3A_298 = arith.xori %iota3A, %xor3A_297 : vector<16xi32>
    %xor3A_299 = arith.constant 4 : i32
    %xor3A_300 = vector.broadcast %xor3A_299 : i32 to vector<16xi32>
    %xor3A_301 = arith.xori %iota3A, %xor3A_300 : vector<16xi32>
    %xor3A_302 = arith.constant 2 : i32
    %xor3A_303 = vector.broadcast %xor3A_302 : i32 to vector<16xi32>
    %xor3A_304 = arith.xori %iota3A, %xor3A_303 : vector<16xi32>
    %xor3A_305 = arith.constant 1 : i32
    %xor3A_306 = vector.broadcast %xor3A_305 : i32 to vector<16xi32>
    %xor3A_307 = arith.xori %iota3A, %xor3A_306 : vector<16xi32>
    %scan3A = arith.constant 0 : i32
    %scan3A_308 = arith.constant 0 : i32
    %scan3A_309 = arith.constant 32 : i32
    %scan3A_310 = arith.addi %scan3A_308, %scan3A_309 : i32
    %scan3A_311 = arith.constant 1 : i32
    scf.for %scan3A_313 = %scan3A_308 to %scan3A_310 step %scan3A_311  : i32 {
      %mul3A_314 = arith.constant 16 : i32
      %mul3A_315 = arith.muli %scan3A_313, %mul3A_314 : i32
      %broadcast_in_dim3A = arith.constant 0.000000e+00 : f32
      %broadcast_in_dim3A_316 = vector.broadcast %broadcast_in_dim3A : f32 to vector<16xf32>
      %add3A_317 = arith.constant 0 : i32
      %add3A_318 = arith.addi %mul3A_315, %add3A_317 : i32
      %get3A_319 = arith.index_cast %add3A_318 : i32 to index
      %get3A_320 = arith.constant 0 : index
      %get3A_321 = tpu.vector_load %arg13[%get3A_319, %get3A_320] {strides = array<i32>} : memref<512x64xf32, #tpu.memory_space<vmem>>, vector<1x16xf32>,
      %get3A_322 = vector.shape_cast %get3A_321 : vector<1x16xf32> to vector<16xf32>
      %get3A_323 = arith.index_cast %add3A_318 : i32 to index
      %get3A_324 = arith.constant 0 : index
      %get3A_325 = tpu.vector_load %arg14[%get3A_323, %get3A_324] {strides = array<i32>} : memref<512x64xf32, #tpu.memory_space<vmem>>, vector<1x16xf32>,
      %get3A_326 = vector.shape_cast %get3A_325 : vector<1x16xf32> to vector<16xf32>
      %mul3A_327 = arith.mulf %get3A_322, %get3A_326 : vector<16xf32>
      %get3A_328 = arith.index_cast %add3A_318 : i32 to index
      %get3A_329 = arith.constant 16 : index
      %get3A_330 = tpu.vector_load %arg13[%get3A_328, %get3A_329] {strides = array<i32>} : memref<512x64xf32, #tpu.memory_space<vmem>>, vector<1x16xf32>,
      %get3A_331 = vector.shape_cast %get3A_330 : vector<1x16xf32> to vector<16xf32>
      %get3A_332 = arith.index_cast %add3A_318 : i32 to index
      %get3A_333 = arith.constant 16 : index
      %get3A_334 = tpu.vector_load %arg14[%get3A_332, %get3A_333] {strides = array<i32>} : memref<512x64xf32, #tpu.memory_space<vmem>>, vector<1x16xf32>,
      %get3A_335 = vector.shape_cast %get3A_334 : vector<1x16xf32> to vector<16xf32>
      %mul3A_336 = arith.mulf %get3A_331, %get3A_335 : vector<16xf32>
      %add3A_337 = arith.addf %mul3A_327, %mul3A_336 : vector<16xf32>
      %get3A_338 = arith.index_cast %add3A_318 : i32 to index
      %get3A_339 = arith.constant 32 : index
      %get3A_340 = tpu.vector_load %arg13[%get3A_338, %get3A_339] {strides = array<i32>} : memref<512x64xf32, #tpu.memory_space<vmem>>, vector<1x16xf32>,
      %get3A_341 = vector.shape_cast %get3A_340 : vector<1x16xf32> to vector<16xf32>
      %get3A_342 = arith.index_cast %add3A_318 : i32 to index
      %get3A_343 = arith.constant 32 : index
      %get3A_344 = tpu.vector_load %arg14[%get3A_342, %get3A_343] {strides = array<i32>} : memref<512x64xf32, #tpu.memory_space<vmem>>, vector<1x16xf32>,
      %get3A_345 = vector.shape_cast %get3A_344 : vector<1x16xf32> to vector<16xf32>
      %mul3A_346 = arith.mulf %get3A_341, %get3A_345 : vector<16xf32>
      %add3A_347 = arith.addf %add3A_337, %mul3A_346 : vector<16xf32>
      %get3A_348 = arith.index_cast %add3A_318 : i32 to index
      %get3A_349 = arith.constant 48 : index
      %get3A_350 = tpu.vector_load %arg13[%get3A_348, %get3A_349] {strides = array<i32>} : memref<512x64xf32, #tpu.memory_space<vmem>>, vector<1x16xf32>,
      %get3A_351 = vector.shape_cast %get3A_350 : vector<1x16xf32> to vector<16xf32>
      %get3A_352 = arith.index_cast %add3A_318 : i32 to index
      %get3A_353 = arith.constant 48 : index
      %get3A_354 = tpu.vector_load %arg14[%get3A_352, %get3A_353] {strides = array<i32>} : memref<512x64xf32, #tpu.memory_space<vmem>>, vector<1x16xf32>,
      %get3A_355 = vector.shape_cast %get3A_354 : vector<1x16xf32> to vector<16xf32>
      %mul3A_356 = arith.mulf %get3A_351, %get3A_355 : vector<16xf32>
      %add3A_357 = arith.addf %add3A_347, %mul3A_356 : vector<16xf32>
      %eq3A = arith.constant 0 : i32
      %eq3A_358 = vector.broadcast %eq3A : i32 to vector<16xi32>
      %eq3A_359 = arith.cmpi eq, %iota3A, %eq3A_358 : vector<16xi32>
      %reshape3A = vector.shape_cast %xor3A_298 : vector<16xi32> to vector<16x1xi32>
      %gather3A = vector.shape_cast %reshape3A : vector<16x1xi32> to vector<16xi32>
      %gather3A_360 = tpu.dynamic_gather %add3A_357[%gather3A] in [0] : vector<16xf32>, vector<16xi32> -> vector<16xf32>
      %add3A_361 = arith.addf %add3A_357, %gather3A_360 : vector<16xf32>
      %reshape3A_362 = vector.shape_cast %xor3A_301 : vector<16xi32> to vector<16x1xi32>
      %gather3A_363 = vector.shape_cast %reshape3A_362 : vector<16x1xi32> to vector<16xi32>
      %gather3A_364 = tpu.dynamic_gather %add3A_361[%gather3A_363] in [0] : vector<16xf32>, vector<16xi32> -> vector<16xf32>
      %add3A_365 = arith.addf %add3A_361, %gather3A_364 : vector<16xf32>
      %reshape3A_366 = vector.shape_cast %xor3A_304 : vector<16xi32> to vector<16x1xi32>
      %gather3A_367 = vector.shape_cast %reshape3A_366 : vector<16x1xi32> to vector<16xi32>
      %gather3A_368 = tpu.dynamic_gather %add3A_365[%gather3A_367] in [0] : vector<16xf32>, vector<16xi32> -> vector<16xf32>
      %add3A_369 = arith.addf %add3A_365, %gather3A_368 : vector<16xf32>
      %reshape3A_370 = vector.shape_cast %xor3A_307 : vector<16xi32> to vector<16x1xi32>
      %gather3A_371 = vector.shape_cast %reshape3A_370 : vector<16x1xi32> to vector<16xi32>
      %gather3A_372 = tpu.dynamic_gather %add3A_369[%gather3A_371] in [0] : vector<16xf32>, vector<16xi32> -> vector<16xf32>
      %add3A_373 = arith.addf %add3A_369, %gather3A_372 : vector<16xf32>
      %select_n3A = arith.select %eq3A_359, %add3A_373, %broadcast_in_dim3A_316 : vector<16xi1>, vector<16xf32>
      %add3A_374 = arith.constant 1 : i32
      %add3A_375 = arith.addi %mul3A_315, %add3A_374 : i32
      %get3A_376 = arith.index_cast %add3A_375 : i32 to index
      %get3A_377 = arith.constant 0 : index
      %get3A_378 = tpu.vector_load %arg13[%get3A_376, %get3A_377] {strides = array<i32>} : memref<512x64xf32, #tpu.memory_space<vmem>>, vector<1x16xf32>,
      %get3A_379 = vector.shape_cast %get3A_378 : vector<1x16xf32> to vector<16xf32>
      %get3A_380 = arith.index_cast %add3A_375 : i32 to index
      %get3A_381 = arith.constant 0 : index
      %get3A_382 = tpu.vector_load %arg14[%get3A_380, %get3A_381] {strides = array<i32>} : memref<512x64xf32, #tpu.memory_space<vmem>>, vector<1x16xf32>,
      %get3A_383 = vector.shape_cast %get3A_382 : vector<1x16xf32> to vector<16xf32>
      %mul3A_384 = arith.mulf %get3A_379, %get3A_383 : vector<16xf32>
      %get3A_385 = arith.index_cast %add3A_375 : i32 to index
      %get3A_386 = arith.constant 16 : index
      %get3A_387 = tpu.vector_load %arg13[%get3A_385, %get3A_386] {strides = array<i32>} : memref<512x64xf32, #tpu.memory_space<vmem>>, vector<1x16xf32>,
      %get3A_388 = vector.shape_cast %get3A_387 : vector<1x16xf32> to vector<16xf32>
      %get3A_389 = arith.index_cast %add3A_375 : i32 to index
      %get3A_390 = arith.constant 16 : index
      %get3A_391 = tpu.vector_load %arg14[%get3A_389, %get3A_390] {strides = array<i32>} : memref<512x64xf32, #tpu.memory_space<vmem>>, vector<1x16xf32>,
      %get3A_392 = vector.shape_cast %get3A_391 : vector<1x16xf32> to vector<16xf32>
      %mul3A_393 = arith.mulf %get3A_388, %get3A_392 : vector<16xf32>
      %add3A_394 = arith.addf %mul3A_384, %mul3A_393 : vector<16xf32>
      %get3A_395 = arith.index_cast %add3A_375 : i32 to index
      %get3A_396 = arith.constant 32 : index
      %get3A_397 = tpu.vector_load %arg13[%get3A_395, %get3A_396] {strides = array<i32>} : memref<512x64xf32, #tpu.memory_space<vmem>>, vector<1x16xf32>,
      %get3A_398 = vector.shape_cast %get3A_397 : vector<1x16xf32> to vector<16xf32>
      %get3A_399 = arith.index_cast %add3A_375 : i32 to index
      %get3A_400 = arith.constant 32 : index
      %get3A_401 = tpu.vector_load %arg14[%get3A_399, %get3A_400] {strides = array<i32>} : memref<512x64xf32, #tpu.memory_space<vmem>>, vector<1x16xf32>,
      %get3A_402 = vector.shape_cast %get3A_401 : vector<1x16xf32> to vector<16xf32>
      %mul3A_403 = arith.mulf %get3A_398, %get3A_402 : vector<16xf32>
      %add3A_404 = arith.addf %add3A_394, %mul3A_403 : vector<16xf32>
      %get3A_405 = arith.index_cast %add3A_375 : i32 to index
      %get3A_406 = arith.constant 48 : index
      %get3A_407 = tpu.vector_load %arg13[%get3A_405, %get3A_406] {strides = array<i32>} : memref<512x64xf32, #tpu.memory_space<vmem>>, vector<1x16xf32>,
      %get3A_408 = vector.shape_cast %get3A_407 : vector<1x16xf32> to vector<16xf32>
      %get3A_409 = arith.index_cast %add3A_375 : i32 to index
      %get3A_410 = arith.constant 48 : index
      %get3A_411 = tpu.vector_load %arg14[%get3A_409, %get3A_410] {strides = array<i32>} : memref<512x64xf32, #tpu.memory_space<vmem>>, vector<1x16xf32>,
      %get3A_412 = vector.shape_cast %get3A_411 : vector<1x16xf32> to vector<16xf32>
      %mul3A_413 = arith.mulf %get3A_408, %get3A_412 : vector<16xf32>
      %add3A_414 = arith.addf %add3A_404, %mul3A_413 : vector<16xf32>
      %eq3A_415 = arith.constant 1 : i32
      %eq3A_416 = vector.broadcast %eq3A_415 : i32 to vector<16xi32>
      %eq3A_417 = arith.cmpi eq, %iota3A, %eq3A_416 : vector<16xi32>
      %reshape3A_418 = vector.shape_cast %xor3A_298 : vector<16xi32> to vector<16x1xi32>
      %gather3A_419 = vector.shape_cast %reshape3A_418 : vector<16x1xi32> to vector<16xi32>
      %gather3A_420 = tpu.dynamic_gather %add3A_414[%gather3A_419] in [0] : vector<16xf32>, vector<16xi32> -> vector<16xf32>
      %add3A_421 = arith.addf %add3A_414, %gather3A_420 : vector<16xf32>
      %reshape3A_422 = vector.shape_cast %xor3A_301 : vector<16xi32> to vector<16x1xi32>
      %gather3A_423 = vector.shape_cast %reshape3A_422 : vector<16x1xi32> to vector<16xi32>
      %gather3A_424 = tpu.dynamic_gather %add3A_421[%gather3A_423] in [0] : vector<16xf32>, vector<16xi32> -> vector<16xf32>
      %add3A_425 = arith.addf %add3A_421, %gather3A_424 : vector<16xf32>
      %reshape3A_426 = vector.shape_cast %xor3A_304 : vector<16xi32> to vector<16x1xi32>
      %gather3A_427 = vector.shape_cast %reshape3A_426 : vector<16x1xi32> to vector<16xi32>
      %gather3A_428 = tpu.dynamic_gather %add3A_425[%gather3A_427] in [0] : vector<16xf32>, vector<16xi32> -> vector<16xf32>
      %add3A_429 = arith.addf %add3A_425, %gather3A_428 : vector<16xf32>
      %reshape3A_430 = vector.shape_cast %xor3A_307 : vector<16xi32> to vector<16x1xi32>
      %gather3A_431 = vector.shape_cast %reshape3A_430 : vector<16x1xi32> to vector<16xi32>
      %gather3A_432 = tpu.dynamic_gather %add3A_429[%gather3A_431] in [0] : vector<16xf32>, vector<16xi32> -> vector<16xf32>
      %add3A_433 = arith.addf %add3A_429, %gather3A_432 : vector<16xf32>
      %select_n3A_434 = arith.select %eq3A_417, %add3A_433, %select_n3A : vector<16xi1>, vector<16xf32>
      %add3A_435 = arith.constant 2 : i32
      %add3A_436 = arith.addi %mul3A_315, %add3A_435 : i32
      %get3A_437 = arith.index_cast %add3A_436 : i32 to index
      %get3A_438 = arith.constant 0 : index
      %get3A_439 = tpu.vector_load %arg13[%get3A_437, %get3A_438] {strides = array<i32>} : memref<512x64xf32, #tpu.memory_space<vmem>>, vector<1x16xf32>,
      %get3A_440 = vector.shape_cast %get3A_439 : vector<1x16xf32> to vector<16xf32>
      %get3A_441 = arith.index_cast %add3A_436 : i32 to index
      %get3A_442 = arith.constant 0 : index
      %get3A_443 = tpu.vector_load %arg14[%get3A_441, %get3A_442] {strides = array<i32>} : memref<512x64xf32, #tpu.memory_space<vmem>>, vector<1x16xf32>,
      %get3A_444 = vector.shape_cast %get3A_443 : vector<1x16xf32> to vector<16xf32>
      %mul3A_445 = arith.mulf %get3A_440, %get3A_444 : vector<16xf32>
      %get3A_446 = arith.index_cast %add3A_436 : i32 to index
      %get3A_447 = arith.constant 16 : index
      %get3A_448 = tpu.vector_load %arg13[%get3A_446, %get3A_447] {strides = array<i32>} : memref<512x64xf32, #tpu.memory_space<vmem>>, vector<1x16xf32>,
      %get3A_449 = vector.shape_cast %get3A_448 : vector<1x16xf32> to vector<16xf32>
      %get3A_450 = arith.index_cast %add3A_436 : i32 to index
      %get3A_451 = arith.constant 16 : index
      %get3A_452 = tpu.vector_load %arg14[%get3A_450, %get3A_451] {strides = array<i32>} : memref<512x64xf32, #tpu.memory_space<vmem>>, vector<1x16xf32>,
      %get3A_453 = vector.shape_cast %get3A_452 : vector<1x16xf32> to vector<16xf32>
      %mul3A_454 = arith.mulf %get3A_449, %get3A_453 : vector<16xf32>
      %add3A_455 = arith.addf %mul3A_445, %mul3A_454 : vector<16xf32>
      %get3A_456 = arith.index_cast %add3A_436 : i32 to index
      %get3A_457 = arith.constant 32 : index
      %get3A_458 = tpu.vector_load %arg13[%get3A_456, %get3A_457] {strides = array<i32>} : memref<512x64xf32, #tpu.memory_space<vmem>>, vector<1x16xf32>,
      %get3A_459 = vector.shape_cast %get3A_458 : vector<1x16xf32> to vector<16xf32>
      %get3A_460 = arith.index_cast %add3A_436 : i32 to index
      %get3A_461 = arith.constant 32 : index
      %get3A_462 = tpu.vector_load %arg14[%get3A_460, %get3A_461] {strides = array<i32>} : memref<512x64xf32, #tpu.memory_space<vmem>>, vector<1x16xf32>,
      %get3A_463 = vector.shape_cast %get3A_462 : vector<1x16xf32> to vector<16xf32>
      %mul3A_464 = arith.mulf %get3A_459, %get3A_463 : vector<16xf32>
      %add3A_465 = arith.addf %add3A_455, %mul3A_464 : vector<16xf32>
      %get3A_466 = arith.index_cast %add3A_436 : i32 to index
      %get3A_467 = arith.constant 48 : index
      %get3A_468 = tpu.vector_load %arg13[%get3A_466, %get3A_467] {strides = array<i32>} : memref<512x64xf32, #tpu.memory_space<vmem>>, vector<1x16xf32>,
      %get3A_469 = vector.shape_cast %get3A_468 : vector<1x16xf32> to vector<16xf32>
      %get3A_470 = arith.index_cast %add3A_436 : i32 to index
      %get3A_471 = arith.constant 48 : index
      %get3A_472 = tpu.vector_load %arg14[%get3A_470, %get3A_471] {strides = array<i32>} : memref<512x64xf32, #tpu.memory_space<vmem>>, vector<1x16xf32>,
      %get3A_473 = vector.shape_cast %get3A_472 : vector<1x16xf32> to vector<16xf32>
      %mul3A_474 = arith.mulf %get3A_469, %get3A_473 : vector<16xf32>
      %add3A_475 = arith.addf %add3A_465, %mul3A_474 : vector<16xf32>
      %eq3A_476 = arith.constant 2 : i32
      %eq3A_477 = vector.broadcast %eq3A_476 : i32 to vector<16xi32>
      %eq3A_478 = arith.cmpi eq, %iota3A, %eq3A_477 : vector<16xi32>
      %reshape3A_479 = vector.shape_cast %xor3A_298 : vector<16xi32> to vector<16x1xi32>
      %gather3A_480 = vector.shape_cast %reshape3A_479 : vector<16x1xi32> to vector<16xi32>
      %gather3A_481 = tpu.dynamic_gather %add3A_475[%gather3A_480] in [0] : vector<16xf32>, vector<16xi32> -> vector<16xf32>
      %add3A_482 = arith.addf %add3A_475, %gather3A_481 : vector<16xf32>
      %reshape3A_483 = vector.shape_cast %xor3A_301 : vector<16xi32> to vector<16x1xi32>
      %gather3A_484 = vector.shape_cast %reshape3A_483 : vector<16x1xi32> to vector<16xi32>
      %gather3A_485 = tpu.dynamic_gather %add3A_482[%gather3A_484] in [0] : vector<16xf32>, vector<16xi32> -> vector<16xf32>
      %add3A_486 = arith.addf %add3A_482, %gather3A_485 : vector<16xf32>
      %reshape3A_487 = vector.shape_cast %xor3A_304 : vector<16xi32> to vector<16x1xi32>
      %gather3A_488 = vector.shape_cast %reshape3A_487 : vector<16x1xi32> to vector<16xi32>
      %gather3A_489 = tpu.dynamic_gather %add3A_486[%gather3A_488] in [0] : vector<16xf32>, vector<16xi32> -> vector<16xf32>
      %add3A_490 = arith.addf %add3A_486, %gather3A_489 : vector<16xf32>
      %reshape3A_491 = vector.shape_cast %xor3A_307 : vector<16xi32> to vector<16x1xi32>
      %gather3A_492 = vector.shape_cast %reshape3A_491 : vector<16x1xi32> to vector<16xi32>
      %gather3A_493 = tpu.dynamic_gather %add3A_490[%gather3A_492] in [0] : vector<16xf32>, vector<16xi32> -> vector<16xf32>
      %add3A_494 = arith.addf %add3A_490, %gather3A_493 : vector<16xf32>
      %select_n3A_495 = arith.select %eq3A_478, %add3A_494, %select_n3A_434 : vector<16xi1>, vector<16xf32>
      %add3A_496 = arith.constant 3 : i32
      %add3A_497 = arith.addi %mul3A_315, %add3A_496 : i32
      %get3A_498 = arith.index_cast %add3A_497 : i32 to index
      %get3A_499 = arith.constant 0 : index
      %get3A_500 = tpu.vector_load %arg13[%get3A_498, %get3A_499] {strides = array<i32>} : memref<512x64xf32, #tpu.memory_space<vmem>>, vector<1x16xf32>,
      %get3A_501 = vector.shape_cast %get3A_500 : vector<1x16xf32> to vector<16xf32>
      %get3A_502 = arith.index_cast %add3A_497 : i32 to index
      %get3A_503 = arith.constant 0 : index
      %get3A_504 = tpu.vector_load %arg14[%get3A_502, %get3A_503] {strides = array<i32>} : memref<512x64xf32, #tpu.memory_space<vmem>>, vector<1x16xf32>,
      %get3A_505 = vector.shape_cast %get3A_504 : vector<1x16xf32> to vector<16xf32>
      %mul3A_506 = arith.mulf %get3A_501, %get3A_505 : vector<16xf32>
      %get3A_507 = arith.index_cast %add3A_497 : i32 to index
      %get3A_508 = arith.constant 16 : index
      %get3A_509 = tpu.vector_load %arg13[%get3A_507, %get3A_508] {strides = array<i32>} : memref<512x64xf32, #tpu.memory_space<vmem>>, vector<1x16xf32>,
      %get3A_510 = vector.shape_cast %get3A_509 : vector<1x16xf32> to vector<16xf32>
      %get3A_511 = arith.index_cast %add3A_497 : i32 to index
      %get3A_512 = arith.constant 16 : index
      %get3A_513 = tpu.vector_load %arg14[%get3A_511, %get3A_512] {strides = array<i32>} : memref<512x64xf32, #tpu.memory_space<vmem>>, vector<1x16xf32>,
      %get3A_514 = vector.shape_cast %get3A_513 : vector<1x16xf32> to vector<16xf32>
      %mul3A_515 = arith.mulf %get3A_510, %get3A_514 : vector<16xf32>
      %add3A_516 = arith.addf %mul3A_506, %mul3A_515 : vector<16xf32>
      %get3A_517 = arith.index_cast %add3A_497 : i32 to index
      %get3A_518 = arith.constant 32 : index
      %get3A_519 = tpu.vector_load %arg13[%get3A_517, %get3A_518] {strides = array<i32>} : memref<512x64xf32, #tpu.memory_space<vmem>>, vector<1x16xf32>,
      %get3A_520 = vector.shape_cast %get3A_519 : vector<1x16xf32> to vector<16xf32>
      %get3A_521 = arith.index_cast %add3A_497 : i32 to index
      %get3A_522 = arith.constant 32 : index
      %get3A_523 = tpu.vector_load %arg14[%get3A_521, %get3A_522] {strides = array<i32>} : memref<512x64xf32, #tpu.memory_space<vmem>>, vector<1x16xf32>,
      %get3A_524 = vector.shape_cast %get3A_523 : vector<1x16xf32> to vector<16xf32>
      %mul3A_525 = arith.mulf %get3A_520, %get3A_524 : vector<16xf32>
      %add3A_526 = arith.addf %add3A_516, %mul3A_525 : vector<16xf32>
      %get3A_527 = arith.index_cast %add3A_497 : i32 to index
      %get3A_528 = arith.constant 48 : index
      %get3A_529 = tpu.vector_load %arg13[%get3A_527, %get3A_528] {strides = array<i32>} : memref<512x64xf32, #tpu.memory_space<vmem>>, vector<1x16xf32>,
      %get3A_530 = vector.shape_cast %get3A_529 : vector<1x16xf32> to vector<16xf32>
      %get3A_531 = arith.index_cast %add3A_497 : i32 to index
      %get3A_532 = arith.constant 48 : index
      %get3A_533 = tpu.vector_load %arg14[%get3A_531, %get3A_532] {strides = array<i32>} : memref<512x64xf32, #tpu.memory_space<vmem>>, vector<1x16xf32>,
      %get3A_534 = vector.shape_cast %get3A_533 : vector<1x16xf32> to vector<16xf32>
      %mul3A_535 = arith.mulf %get3A_530, %get3A_534 : vector<16xf32>
      %add3A_536 = arith.addf %add3A_526, %mul3A_535 : vector<16xf32>
      %eq3A_537 = arith.constant 3 : i32
      %eq3A_538 = vector.broadcast %eq3A_537 : i32 to vector<16xi32>
      %eq3A_539 = arith.cmpi eq, %iota3A, %eq3A_538 : vector<16xi32>
      %reshape3A_540 = vector.shape_cast %xor3A_298 : vector<16xi32> to vector<16x1xi32>
      %gather3A_541 = vector.shape_cast %reshape3A_540 : vector<16x1xi32> to vector<16xi32>
      %gather3A_542 = tpu.dynamic_gather %add3A_536[%gather3A_541] in [0] : vector<16xf32>, vector<16xi32> -> vector<16xf32>
      %add3A_543 = arith.addf %add3A_536, %gather3A_542 : vector<16xf32>
      %reshape3A_544 = vector.shape_cast %xor3A_301 : vector<16xi32> to vector<16x1xi32>
      %gather3A_545 = vector.shape_cast %reshape3A_544 : vector<16x1xi32> to vector<16xi32>
      %gather3A_546 = tpu.dynamic_gather %add3A_543[%gather3A_545] in [0] : vector<16xf32>, vector<16xi32> -> vector<16xf32>
      %add3A_547 = arith.addf %add3A_543, %gather3A_546 : vector<16xf32>
      %reshape3A_548 = vector.shape_cast %xor3A_304 : vector<16xi32> to vector<16x1xi32>
      %gather3A_549 = vector.shape_cast %reshape3A_548 : vector<16x1xi32> to vector<16xi32>
      %gather3A_550 = tpu.dynamic_gather %add3A_547[%gather3A_549] in [0] : vector<16xf32>, vector<16xi32> -> vector<16xf32>
      %add3A_551 = arith.addf %add3A_547, %gather3A_550 : vector<16xf32>
      %reshape3A_552 = vector.shape_cast %xor3A_307 : vector<16xi32> to vector<16x1xi32>
      %gather3A_553 = vector.shape_cast %reshape3A_552 : vector<16x1xi32> to vector<16xi32>
      %gather3A_554 = tpu.dynamic_gather %add3A_551[%gather3A_553] in [0] : vector<16xf32>, vector<16xi32> -> vector<16xf32>
      %add3A_555 = arith.addf %add3A_551, %gather3A_554 : vector<16xf32>
      %select_n3A_556 = arith.select %eq3A_539, %add3A_555, %select_n3A_495 : vector<16xi1>, vector<16xf32>
      %add3A_557 = arith.constant 4 : i32
      %add3A_558 = arith.addi %mul3A_315, %add3A_557 : i32
      %get3A_559 = arith.index_cast %add3A_558 : i32 to index
      %get3A_560 = arith.constant 0 : index
      %get3A_561 = tpu.vector_load %arg13[%get3A_559, %get3A_560] {strides = array<i32>} : memref<512x64xf32, #tpu.memory_space<vmem>>, vector<1x16xf32>,
      %get3A_562 = vector.shape_cast %get3A_561 : vector<1x16xf32> to vector<16xf32>
      %get3A_563 = arith.index_cast %add3A_558 : i32 to index
      %get3A_564 = arith.constant 0 : index
      %get3A_565 = tpu.vector_load %arg14[%get3A_563, %get3A_564] {strides = array<i32>} : memref<512x64xf32, #tpu.memory_space<vmem>>, vector<1x16xf32>,
      %get3A_566 = vector.shape_cast %get3A_565 : vector<1x16xf32> to vector<16xf32>
      %mul3A_567 = arith.mulf %get3A_562, %get3A_566 : vector<16xf32>
      %get3A_568 = arith.index_cast %add3A_558 : i32 to index
      %get3A_569 = arith.constant 16 : index
      %get3A_570 = tpu.vector_load %arg13[%get3A_568, %get3A_569] {strides = array<i32>} : memref<512x64xf32, #tpu.memory_space<vmem>>, vector<1x16xf32>,
      %get3A_571 = vector.shape_cast %get3A_570 : vector<1x16xf32> to vector<16xf32>
      %get3A_572 = arith.index_cast %add3A_558 : i32 to index
      %get3A_573 = arith.constant 16 : index
      %get3A_574 = tpu.vector_load %arg14[%get3A_572, %get3A_573] {strides = array<i32>} : memref<512x64xf32, #tpu.memory_space<vmem>>, vector<1x16xf32>,
      %get3A_575 = vector.shape_cast %get3A_574 : vector<1x16xf32> to vector<16xf32>
      %mul3A_576 = arith.mulf %get3A_571, %get3A_575 : vector<16xf32>
      %add3A_577 = arith.addf %mul3A_567, %mul3A_576 : vector<16xf32>
      %get3A_578 = arith.index_cast %add3A_558 : i32 to index
      %get3A_579 = arith.constant 32 : index
      %get3A_580 = tpu.vector_load %arg13[%get3A_578, %get3A_579] {strides = array<i32>} : memref<512x64xf32, #tpu.memory_space<vmem>>, vector<1x16xf32>,
      %get3A_581 = vector.shape_cast %get3A_580 : vector<1x16xf32> to vector<16xf32>
      %get3A_582 = arith.index_cast %add3A_558 : i32 to index
      %get3A_583 = arith.constant 32 : index
      %get3A_584 = tpu.vector_load %arg14[%get3A_582, %get3A_583] {strides = array<i32>} : memref<512x64xf32, #tpu.memory_space<vmem>>, vector<1x16xf32>,
      %get3A_585 = vector.shape_cast %get3A_584 : vector<1x16xf32> to vector<16xf32>
      %mul3A_586 = arith.mulf %get3A_581, %get3A_585 : vector<16xf32>
      %add3A_587 = arith.addf %add3A_577, %mul3A_586 : vector<16xf32>
      %get3A_588 = arith.index_cast %add3A_558 : i32 to index
      %get3A_589 = arith.constant 48 : index
      %get3A_590 = tpu.vector_load %arg13[%get3A_588, %get3A_589] {strides = array<i32>} : memref<512x64xf32, #tpu.memory_space<vmem>>, vector<1x16xf32>,
      %get3A_591 = vector.shape_cast %get3A_590 : vector<1x16xf32> to vector<16xf32>
      %get3A_592 = arith.index_cast %add3A_558 : i32 to index
      %get3A_593 = arith.constant 48 : index
      %get3A_594 = tpu.vector_load %arg14[%get3A_592, %get3A_593] {strides = array<i32>} : memref<512x64xf32, #tpu.memory_space<vmem>>, vector<1x16xf32>,
      %get3A_595 = vector.shape_cast %get3A_594 : vector<1x16xf32> to vector<16xf32>
      %mul3A_596 = arith.mulf %get3A_591, %get3A_595 : vector<16xf32>
      %add3A_597 = arith.addf %add3A_587, %mul3A_596 : vector<16xf32>
      %eq3A_598 = arith.constant 4 : i32
      %eq3A_599 = vector.broadcast %eq3A_598 : i32 to vector<16xi32>
      %eq3A_600 = arith.cmpi eq, %iota3A, %eq3A_599 : vector<16xi32>
      %reshape3A_601 = vector.shape_cast %xor3A_298 : vector<16xi32> to vector<16x1xi32>
      %gather3A_602 = vector.shape_cast %reshape3A_601 : vector<16x1xi32> to vector<16xi32>
      %gather3A_603 = tpu.dynamic_gather %add3A_597[%gather3A_602] in [0] : vector<16xf32>, vector<16xi32> -> vector<16xf32>
      %add3A_604 = arith.addf %add3A_597, %gather3A_603 : vector<16xf32>
      %reshape3A_605 = vector.shape_cast %xor3A_301 : vector<16xi32> to vector<16x1xi32>
      %gather3A_606 = vector.shape_cast %reshape3A_605 : vector<16x1xi32> to vector<16xi32>
      %gather3A_607 = tpu.dynamic_gather %add3A_604[%gather3A_606] in [0] : vector<16xf32>, vector<16xi32> -> vector<16xf32>
      %add3A_608 = arith.addf %add3A_604, %gather3A_607 : vector<16xf32>
      %reshape3A_609 = vector.shape_cast %xor3A_304 : vector<16xi32> to vector<16x1xi32>
      %gather3A_610 = vector.shape_cast %reshape3A_609 : vector<16x1xi32> to vector<16xi32>
      %gather3A_611 = tpu.dynamic_gather %add3A_608[%gather3A_610] in [0] : vector<16xf32>, vector<16xi32> -> vector<16xf32>
      %add3A_612 = arith.addf %add3A_608, %gather3A_611 : vector<16xf32>
      %reshape3A_613 = vector.shape_cast %xor3A_307 : vector<16xi32> to vector<16x1xi32>
      %gather3A_614 = vector.shape_cast %reshape3A_613 : vector<16x1xi32> to vector<16xi32>
      %gather3A_615 = tpu.dynamic_gather %add3A_612[%gather3A_614] in [0] : vector<16xf32>, vector<16xi32> -> vector<16xf32>
      %add3A_616 = arith.addf %add3A_612, %gather3A_615 : vector<16xf32>
      %select_n3A_617 = arith.select %eq3A_600, %add3A_616, %select_n3A_556 : vector<16xi1>, vector<16xf32>
      %add3A_618 = arith.constant 5 : i32
      %add3A_619 = arith.addi %mul3A_315, %add3A_618 : i32
      %get3A_620 = arith.index_cast %add3A_619 : i32 to index
      %get3A_621 = arith.constant 0 : index
      %get3A_622 = tpu.vector_load %arg13[%get3A_620, %get3A_621] {strides = array<i32>} : memref<512x64xf32, #tpu.memory_space<vmem>>, vector<1x16xf32>,
      %get3A_623 = vector.shape_cast %get3A_622 : vector<1x16xf32> to vector<16xf32>
      %get3A_624 = arith.index_cast %add3A_619 : i32 to index
      %get3A_625 = arith.constant 0 : index
      %get3A_626 = tpu.vector_load %arg14[%get3A_624, %get3A_625] {strides = array<i32>} : memref<512x64xf32, #tpu.memory_space<vmem>>, vector<1x16xf32>,
      %get3A_627 = vector.shape_cast %get3A_626 : vector<1x16xf32> to vector<16xf32>
      %mul3A_628 = arith.mulf %get3A_623, %get3A_627 : vector<16xf32>
      %get3A_629 = arith.index_cast %add3A_619 : i32 to index
      %get3A_630 = arith.constant 16 : index
      %get3A_631 = tpu.vector_load %arg13[%get3A_629, %get3A_630] {strides = array<i32>} : memref<512x64xf32, #tpu.memory_space<vmem>>, vector<1x16xf32>,
      %get3A_632 = vector.shape_cast %get3A_631 : vector<1x16xf32> to vector<16xf32>
      %get3A_633 = arith.index_cast %add3A_619 : i32 to index
      %get3A_634 = arith.constant 16 : index
      %get3A_635 = tpu.vector_load %arg14[%get3A_633, %get3A_634] {strides = array<i32>} : memref<512x64xf32, #tpu.memory_space<vmem>>, vector<1x16xf32>,
      %get3A_636 = vector.shape_cast %get3A_635 : vector<1x16xf32> to vector<16xf32>
      %mul3A_637 = arith.mulf %get3A_632, %get3A_636 : vector<16xf32>
      %add3A_638 = arith.addf %mul3A_628, %mul3A_637 : vector<16xf32>
      %get3A_639 = arith.index_cast %add3A_619 : i32 to index
      %get3A_640 = arith.constant 32 : index
      %get3A_641 = tpu.vector_load %arg13[%get3A_639, %get3A_640] {strides = array<i32>} : memref<512x64xf32, #tpu.memory_space<vmem>>, vector<1x16xf32>,
      %get3A_642 = vector.shape_cast %get3A_641 : vector<1x16xf32> to vector<16xf32>
      %get3A_643 = arith.index_cast %add3A_619 : i32 to index
      %get3A_644 = arith.constant 32 : index
      %get3A_645 = tpu.vector_load %arg14[%get3A_643, %get3A_644] {strides = array<i32>} : memref<512x64xf32, #tpu.memory_space<vmem>>, vector<1x16xf32>,
      %get3A_646 = vector.shape_cast %get3A_645 : vector<1x16xf32> to vector<16xf32>
      %mul3A_647 = arith.mulf %get3A_642, %get3A_646 : vector<16xf32>
      %add3A_648 = arith.addf %add3A_638, %mul3A_647 : vector<16xf32>
      %get3A_649 = arith.index_cast %add3A_619 : i32 to index
      %get3A_650 = arith.constant 48 : index
      %get3A_651 = tpu.vector_load %arg13[%get3A_649, %get3A_650] {strides = array<i32>} : memref<512x64xf32, #tpu.memory_space<vmem>>, vector<1x16xf32>,
      %get3A_652 = vector.shape_cast %get3A_651 : vector<1x16xf32> to vector<16xf32>
      %get3A_653 = arith.index_cast %add3A_619 : i32 to index
      %get3A_654 = arith.constant 48 : index
      %get3A_655 = tpu.vector_load %arg14[%get3A_653, %get3A_654] {strides = array<i32>} : memref<512x64xf32, #tpu.memory_space<vmem>>, vector<1x16xf32>,
      %get3A_656 = vector.shape_cast %get3A_655 : vector<1x16xf32> to vector<16xf32>
      %mul3A_657 = arith.mulf %get3A_652, %get3A_656 : vector<16xf32>
      %add3A_658 = arith.addf %add3A_648, %mul3A_657 : vector<16xf32>
      %eq3A_659 = arith.constant 5 : i32
      %eq3A_660 = vector.broadcast %eq3A_659 : i32 to vector<16xi32>
      %eq3A_661 = arith.cmpi eq, %iota3A, %eq3A_660 : vector<16xi32>
      %reshape3A_662 = vector.shape_cast %xor3A_298 : vector<16xi32> to vector<16x1xi32>
      %gather3A_663 = vector.shape_cast %reshape3A_662 : vector<16x1xi32> to vector<16xi32>
      %gather3A_664 = tpu.dynamic_gather %add3A_658[%gather3A_663] in [0] : vector<16xf32>, vector<16xi32> -> vector<16xf32>
      %add3A_665 = arith.addf %add3A_658, %gather3A_664 : vector<16xf32>
      %reshape3A_666 = vector.shape_cast %xor3A_301 : vector<16xi32> to vector<16x1xi32>
      %gather3A_667 = vector.shape_cast %reshape3A_666 : vector<16x1xi32> to vector<16xi32>
      %gather3A_668 = tpu.dynamic_gather %add3A_665[%gather3A_667] in [0] : vector<16xf32>, vector<16xi32> -> vector<16xf32>
      %add3A_669 = arith.addf %add3A_665, %gather3A_668 : vector<16xf32>
      %reshape3A_670 = vector.shape_cast %xor3A_304 : vector<16xi32> to vector<16x1xi32>
      %gather3A_671 = vector.shape_cast %reshape3A_670 : vector<16x1xi32> to vector<16xi32>
      %gather3A_672 = tpu.dynamic_gather %add3A_669[%gather3A_671] in [0] : vector<16xf32>, vector<16xi32> -> vector<16xf32>
      %add3A_673 = arith.addf %add3A_669, %gather3A_672 : vector<16xf32>
      %reshape3A_674 = vector.shape_cast %xor3A_307 : vector<16xi32> to vector<16x1xi32>
      %gather3A_675 = vector.shape_cast %reshape3A_674 : vector<16x1xi32> to vector<16xi32>
      %gather3A_676 = tpu.dynamic_gather %add3A_673[%gather3A_675] in [0] : vector<16xf32>, vector<16xi32> -> vector<16xf32>
      %add3A_677 = arith.addf %add3A_673, %gather3A_676 : vector<16xf32>
      %select_n3A_678 = arith.select %eq3A_661, %add3A_677, %select_n3A_617 : vector<16xi1>, vector<16xf32>
      %add3A_679 = arith.constant 6 : i32
      %add3A_680 = arith.addi %mul3A_315, %add3A_679 : i32
      %get3A_681 = arith.index_cast %add3A_680 : i32 to index
      %get3A_682 = arith.constant 0 : index
      %get3A_683 = tpu.vector_load %arg13[%get3A_681, %get3A_682] {strides = array<i32>} : memref<512x64xf32, #tpu.memory_space<vmem>>, vector<1x16xf32>,
      %get3A_684 = vector.shape_cast %get3A_683 : vector<1x16xf32> to vector<16xf32>
      %get3A_685 = arith.index_cast %add3A_680 : i32 to index
      %get3A_686 = arith.constant 0 : index
      %get3A_687 = tpu.vector_load %arg14[%get3A_685, %get3A_686] {strides = array<i32>} : memref<512x64xf32, #tpu.memory_space<vmem>>, vector<1x16xf32>,
      %get3A_688 = vector.shape_cast %get3A_687 : vector<1x16xf32> to vector<16xf32>
      %mul3A_689 = arith.mulf %get3A_684, %get3A_688 : vector<16xf32>
      %get3A_690 = arith.index_cast %add3A_680 : i32 to index
      %get3A_691 = arith.constant 16 : index
      %get3A_692 = tpu.vector_load %arg13[%get3A_690, %get3A_691] {strides = array<i32>} : memref<512x64xf32, #tpu.memory_space<vmem>>, vector<1x16xf32>,
      %get3A_693 = vector.shape_cast %get3A_692 : vector<1x16xf32> to vector<16xf32>
      %get3A_694 = arith.index_cast %add3A_680 : i32 to index
      %get3A_695 = arith.constant 16 : index
      %get3A_696 = tpu.vector_load %arg14[%get3A_694, %get3A_695] {strides = array<i32>} : memref<512x64xf32, #tpu.memory_space<vmem>>, vector<1x16xf32>,
      %get3A_697 = vector.shape_cast %get3A_696 : vector<1x16xf32> to vector<16xf32>
      %mul3A_698 = arith.mulf %get3A_693, %get3A_697 : vector<16xf32>
      %add3A_699 = arith.addf %mul3A_689, %mul3A_698 : vector<16xf32>
      %get3A_700 = arith.index_cast %add3A_680 : i32 to index
      %get3A_701 = arith.constant 32 : index
      %get3A_702 = tpu.vector_load %arg13[%get3A_700, %get3A_701] {strides = array<i32>} : memref<512x64xf32, #tpu.memory_space<vmem>>, vector<1x16xf32>,
      %get3A_703 = vector.shape_cast %get3A_702 : vector<1x16xf32> to vector<16xf32>
      %get3A_704 = arith.index_cast %add3A_680 : i32 to index
      %get3A_705 = arith.constant 32 : index
      %get3A_706 = tpu.vector_load %arg14[%get3A_704, %get3A_705] {strides = array<i32>} : memref<512x64xf32, #tpu.memory_space<vmem>>, vector<1x16xf32>,
      %get3A_707 = vector.shape_cast %get3A_706 : vector<1x16xf32> to vector<16xf32>
      %mul3A_708 = arith.mulf %get3A_703, %get3A_707 : vector<16xf32>
      %add3A_709 = arith.addf %add3A_699, %mul3A_708 : vector<16xf32>
      %get3A_710 = arith.index_cast %add3A_680 : i32 to index
      %get3A_711 = arith.constant 48 : index
      %get3A_712 = tpu.vector_load %arg13[%get3A_710, %get3A_711] {strides = array<i32>} : memref<512x64xf32, #tpu.memory_space<vmem>>, vector<1x16xf32>,
      %get3A_713 = vector.shape_cast %get3A_712 : vector<1x16xf32> to vector<16xf32>
      %get3A_714 = arith.index_cast %add3A_680 : i32 to index
      %get3A_715 = arith.constant 48 : index
      %get3A_716 = tpu.vector_load %arg14[%get3A_714, %get3A_715] {strides = array<i32>} : memref<512x64xf32, #tpu.memory_space<vmem>>, vector<1x16xf32>,
      %get3A_717 = vector.shape_cast %get3A_716 : vector<1x16xf32> to vector<16xf32>
      %mul3A_718 = arith.mulf %get3A_713, %get3A_717 : vector<16xf32>
      %add3A_719 = arith.addf %add3A_709, %mul3A_718 : vector<16xf32>
      %eq3A_720 = arith.constant 6 : i32
      %eq3A_721 = vector.broadcast %eq3A_720 : i32 to vector<16xi32>
      %eq3A_722 = arith.cmpi eq, %iota3A, %eq3A_721 : vector<16xi32>
      %reshape3A_723 = vector.shape_cast %xor3A_298 : vector<16xi32> to vector<16x1xi32>
      %gather3A_724 = vector.shape_cast %reshape3A_723 : vector<16x1xi32> to vector<16xi32>
      %gather3A_725 = tpu.dynamic_gather %add3A_719[%gather3A_724] in [0] : vector<16xf32>, vector<16xi32> -> vector<16xf32>
      %add3A_726 = arith.addf %add3A_719, %gather3A_725 : vector<16xf32>
      %reshape3A_727 = vector.shape_cast %xor3A_301 : vector<16xi32> to vector<16x1xi32>
      %gather3A_728 = vector.shape_cast %reshape3A_727 : vector<16x1xi32> to vector<16xi32>
      %gather3A_729 = tpu.dynamic_gather %add3A_726[%gather3A_728] in [0] : vector<16xf32>, vector<16xi32> -> vector<16xf32>
      %add3A_730 = arith.addf %add3A_726, %gather3A_729 : vector<16xf32>
      %reshape3A_731 = vector.shape_cast %xor3A_304 : vector<16xi32> to vector<16x1xi32>
      %gather3A_732 = vector.shape_cast %reshape3A_731 : vector<16x1xi32> to vector<16xi32>
      %gather3A_733 = tpu.dynamic_gather %add3A_730[%gather3A_732] in [0] : vector<16xf32>, vector<16xi32> -> vector<16xf32>
      %add3A_734 = arith.addf %add3A_730, %gather3A_733 : vector<16xf32>
      %reshape3A_735 = vector.shape_cast %xor3A_307 : vector<16xi32> to vector<16x1xi32>
      %gather3A_736 = vector.shape_cast %reshape3A_735 : vector<16x1xi32> to vector<16xi32>
      %gather3A_737 = tpu.dynamic_gather %add3A_734[%gather3A_736] in [0] : vector<16xf32>, vector<16xi32> -> vector<16xf32>
      %add3A_738 = arith.addf %add3A_734, %gather3A_737 : vector<16xf32>
      %select_n3A_739 = arith.select %eq3A_722, %add3A_738, %select_n3A_678 : vector<16xi1>, vector<16xf32>
      %add3A_740 = arith.constant 7 : i32
      %add3A_741 = arith.addi %mul3A_315, %add3A_740 : i32
      %get3A_742 = arith.index_cast %add3A_741 : i32 to index
      %get3A_743 = arith.constant 0 : index
      %get3A_744 = tpu.vector_load %arg13[%get3A_742, %get3A_743] {strides = array<i32>} : memref<512x64xf32, #tpu.memory_space<vmem>>, vector<1x16xf32>,
      %get3A_745 = vector.shape_cast %get3A_744 : vector<1x16xf32> to vector<16xf32>
      %get3A_746 = arith.index_cast %add3A_741 : i32 to index
      %get3A_747 = arith.constant 0 : index
      %get3A_748 = tpu.vector_load %arg14[%get3A_746, %get3A_747] {strides = array<i32>} : memref<512x64xf32, #tpu.memory_space<vmem>>, vector<1x16xf32>,
      %get3A_749 = vector.shape_cast %get3A_748 : vector<1x16xf32> to vector<16xf32>
      %mul3A_750 = arith.mulf %get3A_745, %get3A_749 : vector<16xf32>
      %get3A_751 = arith.index_cast %add3A_741 : i32 to index
      %get3A_752 = arith.constant 16 : index
      %get3A_753 = tpu.vector_load %arg13[%get3A_751, %get3A_752] {strides = array<i32>} : memref<512x64xf32, #tpu.memory_space<vmem>>, vector<1x16xf32>,
      %get3A_754 = vector.shape_cast %get3A_753 : vector<1x16xf32> to vector<16xf32>
      %get3A_755 = arith.index_cast %add3A_741 : i32 to index
      %get3A_756 = arith.constant 16 : index
      %get3A_757 = tpu.vector_load %arg14[%get3A_755, %get3A_756] {strides = array<i32>} : memref<512x64xf32, #tpu.memory_space<vmem>>, vector<1x16xf32>,
      %get3A_758 = vector.shape_cast %get3A_757 : vector<1x16xf32> to vector<16xf32>
      %mul3A_759 = arith.mulf %get3A_754, %get3A_758 : vector<16xf32>
      %add3A_760 = arith.addf %mul3A_750, %mul3A_759 : vector<16xf32>
      %get3A_761 = arith.index_cast %add3A_741 : i32 to index
      %get3A_762 = arith.constant 32 : index
      %get3A_763 = tpu.vector_load %arg13[%get3A_761, %get3A_762] {strides = array<i32>} : memref<512x64xf32, #tpu.memory_space<vmem>>, vector<1x16xf32>,
      %get3A_764 = vector.shape_cast %get3A_763 : vector<1x16xf32> to vector<16xf32>
      %get3A_765 = arith.index_cast %add3A_741 : i32 to index
      %get3A_766 = arith.constant 32 : index
      %get3A_767 = tpu.vector_load %arg14[%get3A_765, %get3A_766] {strides = array<i32>} : memref<512x64xf32, #tpu.memory_space<vmem>>, vector<1x16xf32>,
      %get3A_768 = vector.shape_cast %get3A_767 : vector<1x16xf32> to vector<16xf32>
      %mul3A_769 = arith.mulf %get3A_764, %get3A_768 : vector<16xf32>
      %add3A_770 = arith.addf %add3A_760, %mul3A_769 : vector<16xf32>
      %get3A_771 = arith.index_cast %add3A_741 : i32 to index
      %get3A_772 = arith.constant 48 : index
      %get3A_773 = tpu.vector_load %arg13[%get3A_771, %get3A_772] {strides = array<i32>} : memref<512x64xf32, #tpu.memory_space<vmem>>, vector<1x16xf32>,
      %get3A_774 = vector.shape_cast %get3A_773 : vector<1x16xf32> to vector<16xf32>
      %get3A_775 = arith.index_cast %add3A_741 : i32 to index
      %get3A_776 = arith.constant 48 : index
      %get3A_777 = tpu.vector_load %arg14[%get3A_775, %get3A_776] {strides = array<i32>} : memref<512x64xf32, #tpu.memory_space<vmem>>, vector<1x16xf32>,
      %get3A_778 = vector.shape_cast %get3A_777 : vector<1x16xf32> to vector<16xf32>
      %mul3A_779 = arith.mulf %get3A_774, %get3A_778 : vector<16xf32>
      %add3A_780 = arith.addf %add3A_770, %mul3A_779 : vector<16xf32>
      %eq3A_781 = arith.constant 7 : i32
      %eq3A_782 = vector.broadcast %eq3A_781 : i32 to vector<16xi32>
      %eq3A_783 = arith.cmpi eq, %iota3A, %eq3A_782 : vector<16xi32>
      %reshape3A_784 = vector.shape_cast %xor3A_298 : vector<16xi32> to vector<16x1xi32>
      %gather3A_785 = vector.shape_cast %reshape3A_784 : vector<16x1xi32> to vector<16xi32>
      %gather3A_786 = tpu.dynamic_gather %add3A_780[%gather3A_785] in [0] : vector<16xf32>, vector<16xi32> -> vector<16xf32>
      %add3A_787 = arith.addf %add3A_780, %gather3A_786 : vector<16xf32>
      %reshape3A_788 = vector.shape_cast %xor3A_301 : vector<16xi32> to vector<16x1xi32>
      %gather3A_789 = vector.shape_cast %reshape3A_788 : vector<16x1xi32> to vector<16xi32>
      %gather3A_790 = tpu.dynamic_gather %add3A_787[%gather3A_789] in [0] : vector<16xf32>, vector<16xi32> -> vector<16xf32>
      %add3A_791 = arith.addf %add3A_787, %gather3A_790 : vector<16xf32>
      %reshape3A_792 = vector.shape_cast %xor3A_304 : vector<16xi32> to vector<16x1xi32>
      %gather3A_793 = vector.shape_cast %reshape3A_792 : vector<16x1xi32> to vector<16xi32>
      %gather3A_794 = tpu.dynamic_gather %add3A_791[%gather3A_793] in [0] : vector<16xf32>, vector<16xi32> -> vector<16xf32>
      %add3A_795 = arith.addf %add3A_791, %gather3A_794 : vector<16xf32>
      %reshape3A_796 = vector.shape_cast %xor3A_307 : vector<16xi32> to vector<16x1xi32>
      %gather3A_797 = vector.shape_cast %reshape3A_796 : vector<16x1xi32> to vector<16xi32>
      %gather3A_798 = tpu.dynamic_gather %add3A_795[%gather3A_797] in [0] : vector<16xf32>, vector<16xi32> -> vector<16xf32>
      %add3A_799 = arith.addf %add3A_795, %gather3A_798 : vector<16xf32>
      %select_n3A_800 = arith.select %eq3A_783, %add3A_799, %select_n3A_739 : vector<16xi1>, vector<16xf32>
      %add3A_801 = arith.constant 8 : i32
      %add3A_802 = arith.addi %mul3A_315, %add3A_801 : i32
      %get3A_803 = arith.index_cast %add3A_802 : i32 to index
      %get3A_804 = arith.constant 0 : index
      %get3A_805 = tpu.vector_load %arg13[%get3A_803, %get3A_804] {strides = array<i32>} : memref<512x64xf32, #tpu.memory_space<vmem>>, vector<1x16xf32>,
      %get3A_806 = vector.shape_cast %get3A_805 : vector<1x16xf32> to vector<16xf32>
      %get3A_807 = arith.index_cast %add3A_802 : i32 to index
      %get3A_808 = arith.constant 0 : index
      %get3A_809 = tpu.vector_load %arg14[%get3A_807, %get3A_808] {strides = array<i32>} : memref<512x64xf32, #tpu.memory_space<vmem>>, vector<1x16xf32>,
      %get3A_810 = vector.shape_cast %get3A_809 : vector<1x16xf32> to vector<16xf32>
      %mul3A_811 = arith.mulf %get3A_806, %get3A_810 : vector<16xf32>
      %get3A_812 = arith.index_cast %add3A_802 : i32 to index
      %get3A_813 = arith.constant 16 : index
      %get3A_814 = tpu.vector_load %arg13[%get3A_812, %get3A_813] {strides = array<i32>} : memref<512x64xf32, #tpu.memory_space<vmem>>, vector<1x16xf32>,
      %get3A_815 = vector.shape_cast %get3A_814 : vector<1x16xf32> to vector<16xf32>
      %get3A_816 = arith.index_cast %add3A_802 : i32 to index
      %get3A_817 = arith.constant 16 : index
      %get3A_818 = tpu.vector_load %arg14[%get3A_816, %get3A_817] {strides = array<i32>} : memref<512x64xf32, #tpu.memory_space<vmem>>, vector<1x16xf32>,
      %get3A_819 = vector.shape_cast %get3A_818 : vector<1x16xf32> to vector<16xf32>
      %mul3A_820 = arith.mulf %get3A_815, %get3A_819 : vector<16xf32>
      %add3A_821 = arith.addf %mul3A_811, %mul3A_820 : vector<16xf32>
      %get3A_822 = arith.index_cast %add3A_802 : i32 to index
      %get3A_823 = arith.constant 32 : index
      %get3A_824 = tpu.vector_load %arg13[%get3A_822, %get3A_823] {strides = array<i32>} : memref<512x64xf32, #tpu.memory_space<vmem>>, vector<1x16xf32>,
      %get3A_825 = vector.shape_cast %get3A_824 : vector<1x16xf32> to vector<16xf32>
      %get3A_826 = arith.index_cast %add3A_802 : i32 to index
      %get3A_827 = arith.constant 32 : index
      %get3A_828 = tpu.vector_load %arg14[%get3A_826, %get3A_827] {strides = array<i32>} : memref<512x64xf32, #tpu.memory_space<vmem>>, vector<1x16xf32>,
      %get3A_829 = vector.shape_cast %get3A_828 : vector<1x16xf32> to vector<16xf32>
      %mul3A_830 = arith.mulf %get3A_825, %get3A_829 : vector<16xf32>
      %add3A_831 = arith.addf %add3A_821, %mul3A_830 : vector<16xf32>
      %get3A_832 = arith.index_cast %add3A_802 : i32 to index
      %get3A_833 = arith.constant 48 : index
      %get3A_834 = tpu.vector_load %arg13[%get3A_832, %get3A_833] {strides = array<i32>} : memref<512x64xf32, #tpu.memory_space<vmem>>, vector<1x16xf32>,
      %get3A_835 = vector.shape_cast %get3A_834 : vector<1x16xf32> to vector<16xf32>
      %get3A_836 = arith.index_cast %add3A_802 : i32 to index
      %get3A_837 = arith.constant 48 : index
      %get3A_838 = tpu.vector_load %arg14[%get3A_836, %get3A_837] {strides = array<i32>} : memref<512x64xf32, #tpu.memory_space<vmem>>, vector<1x16xf32>,
      %get3A_839 = vector.shape_cast %get3A_838 : vector<1x16xf32> to vector<16xf32>
      %mul3A_840 = arith.mulf %get3A_835, %get3A_839 : vector<16xf32>
      %add3A_841 = arith.addf %add3A_831, %mul3A_840 : vector<16xf32>
      %eq3A_842 = arith.constant 8 : i32
      %eq3A_843 = vector.broadcast %eq3A_842 : i32 to vector<16xi32>
      %eq3A_844 = arith.cmpi eq, %iota3A, %eq3A_843 : vector<16xi32>
      %reshape3A_845 = vector.shape_cast %xor3A_298 : vector<16xi32> to vector<16x1xi32>
      %gather3A_846 = vector.shape_cast %reshape3A_845 : vector<16x1xi32> to vector<16xi32>
      %gather3A_847 = tpu.dynamic_gather %add3A_841[%gather3A_846] in [0] : vector<16xf32>, vector<16xi32> -> vector<16xf32>
      %add3A_848 = arith.addf %add3A_841, %gather3A_847 : vector<16xf32>
      %reshape3A_849 = vector.shape_cast %xor3A_301 : vector<16xi32> to vector<16x1xi32>
      %gather3A_850 = vector.shape_cast %reshape3A_849 : vector<16x1xi32> to vector<16xi32>
      %gather3A_851 = tpu.dynamic_gather %add3A_848[%gather3A_850] in [0] : vector<16xf32>, vector<16xi32> -> vector<16xf32>
      %add3A_852 = arith.addf %add3A_848, %gather3A_851 : vector<16xf32>
      %reshape3A_853 = vector.shape_cast %xor3A_304 : vector<16xi32> to vector<16x1xi32>
      %gather3A_854 = vector.shape_cast %reshape3A_853 : vector<16x1xi32> to vector<16xi32>
      %gather3A_855 = tpu.dynamic_gather %add3A_852[%gather3A_854] in [0] : vector<16xf32>, vector<16xi32> -> vector<16xf32>
      %add3A_856 = arith.addf %add3A_852, %gather3A_855 : vector<16xf32>
      %reshape3A_857 = vector.shape_cast %xor3A_307 : vector<16xi32> to vector<16x1xi32>
      %gather3A_858 = vector.shape_cast %reshape3A_857 : vector<16x1xi32> to vector<16xi32>
      %gather3A_859 = tpu.dynamic_gather %add3A_856[%gather3A_858] in [0] : vector<16xf32>, vector<16xi32> -> vector<16xf32>
      %add3A_860 = arith.addf %add3A_856, %gather3A_859 : vector<16xf32>
      %select_n3A_861 = arith.select %eq3A_844, %add3A_860, %select_n3A_800 : vector<16xi1>, vector<16xf32>
      %add3A_862 = arith.constant 9 : i32
      %add3A_863 = arith.addi %mul3A_315, %add3A_862 : i32
      %get3A_864 = arith.index_cast %add3A_863 : i32 to index
      %get3A_865 = arith.constant 0 : index
      %get3A_866 = tpu.vector_load %arg13[%get3A_864, %get3A_865] {strides = array<i32>} : memref<512x64xf32, #tpu.memory_space<vmem>>, vector<1x16xf32>,
      %get3A_867 = vector.shape_cast %get3A_866 : vector<1x16xf32> to vector<16xf32>
      %get3A_868 = arith.index_cast %add3A_863 : i32 to index
      %get3A_869 = arith.constant 0 : index
      %get3A_870 = tpu.vector_load %arg14[%get3A_868, %get3A_869] {strides = array<i32>} : memref<512x64xf32, #tpu.memory_space<vmem>>, vector<1x16xf32>,
      %get3A_871 = vector.shape_cast %get3A_870 : vector<1x16xf32> to vector<16xf32>
      %mul3A_872 = arith.mulf %get3A_867, %get3A_871 : vector<16xf32>
      %get3A_873 = arith.index_cast %add3A_863 : i32 to index
      %get3A_874 = arith.constant 16 : index
      %get3A_875 = tpu.vector_load %arg13[%get3A_873, %get3A_874] {strides = array<i32>} : memref<512x64xf32, #tpu.memory_space<vmem>>, vector<1x16xf32>,
      %get3A_876 = vector.shape_cast %get3A_875 : vector<1x16xf32> to vector<16xf32>
      %get3A_877 = arith.index_cast %add3A_863 : i32 to index
      %get3A_878 = arith.constant 16 : index
      %get3A_879 = tpu.vector_load %arg14[%get3A_877, %get3A_878] {strides = array<i32>} : memref<512x64xf32, #tpu.memory_space<vmem>>, vector<1x16xf32>,
      %get3A_880 = vector.shape_cast %get3A_879 : vector<1x16xf32> to vector<16xf32>
      %mul3A_881 = arith.mulf %get3A_876, %get3A_880 : vector<16xf32>
      %add3A_882 = arith.addf %mul3A_872, %mul3A_881 : vector<16xf32>
      %get3A_883 = arith.index_cast %add3A_863 : i32 to index
      %get3A_884 = arith.constant 32 : index
      %get3A_885 = tpu.vector_load %arg13[%get3A_883, %get3A_884] {strides = array<i32>} : memref<512x64xf32, #tpu.memory_space<vmem>>, vector<1x16xf32>,
      %get3A_886 = vector.shape_cast %get3A_885 : vector<1x16xf32> to vector<16xf32>
      %get3A_887 = arith.index_cast %add3A_863 : i32 to index
      %get3A_888 = arith.constant 32 : index
      %get3A_889 = tpu.vector_load %arg14[%get3A_887, %get3A_888] {strides = array<i32>} : memref<512x64xf32, #tpu.memory_space<vmem>>, vector<1x16xf32>,
      %get3A_890 = vector.shape_cast %get3A_889 : vector<1x16xf32> to vector<16xf32>
      %mul3A_891 = arith.mulf %get3A_886, %get3A_890 : vector<16xf32>
      %add3A_892 = arith.addf %add3A_882, %mul3A_891 : vector<16xf32>
      %get3A_893 = arith.index_cast %add3A_863 : i32 to index
      %get3A_894 = arith.constant 48 : index
      %get3A_895 = tpu.vector_load %arg13[%get3A_893, %get3A_894] {strides = array<i32>} : memref<512x64xf32, #tpu.memory_space<vmem>>, vector<1x16xf32>,
      %get3A_896 = vector.shape_cast %get3A_895 : vector<1x16xf32> to vector<16xf32>
      %get3A_897 = arith.index_cast %add3A_863 : i32 to index
      %get3A_898 = arith.constant 48 : index
      %get3A_899 = tpu.vector_load %arg14[%get3A_897, %get3A_898] {strides = array<i32>} : memref<512x64xf32, #tpu.memory_space<vmem>>, vector<1x16xf32>,
      %get3A_900 = vector.shape_cast %get3A_899 : vector<1x16xf32> to vector<16xf32>
      %mul3A_901 = arith.mulf %get3A_896, %get3A_900 : vector<16xf32>
      %add3A_902 = arith.addf %add3A_892, %mul3A_901 : vector<16xf32>
      %eq3A_903 = arith.constant 9 : i32
      %eq3A_904 = vector.broadcast %eq3A_903 : i32 to vector<16xi32>
      %eq3A_905 = arith.cmpi eq, %iota3A, %eq3A_904 : vector<16xi32>
      %reshape3A_906 = vector.shape_cast %xor3A_298 : vector<16xi32> to vector<16x1xi32>
      %gather3A_907 = vector.shape_cast %reshape3A_906 : vector<16x1xi32> to vector<16xi32>
      %gather3A_908 = tpu.dynamic_gather %add3A_902[%gather3A_907] in [0] : vector<16xf32>, vector<16xi32> -> vector<16xf32>
      %add3A_909 = arith.addf %add3A_902, %gather3A_908 : vector<16xf32>
      %reshape3A_910 = vector.shape_cast %xor3A_301 : vector<16xi32> to vector<16x1xi32>
      %gather3A_911 = vector.shape_cast %reshape3A_910 : vector<16x1xi32> to vector<16xi32>
      %gather3A_912 = tpu.dynamic_gather %add3A_909[%gather3A_911] in [0] : vector<16xf32>, vector<16xi32> -> vector<16xf32>
      %add3A_913 = arith.addf %add3A_909, %gather3A_912 : vector<16xf32>
      %reshape3A_914 = vector.shape_cast %xor3A_304 : vector<16xi32> to vector<16x1xi32>
      %gather3A_915 = vector.shape_cast %reshape3A_914 : vector<16x1xi32> to vector<16xi32>
      %gather3A_916 = tpu.dynamic_gather %add3A_913[%gather3A_915] in [0] : vector<16xf32>, vector<16xi32> -> vector<16xf32>
      %add3A_917 = arith.addf %add3A_913, %gather3A_916 : vector<16xf32>
      %reshape3A_918 = vector.shape_cast %xor3A_307 : vector<16xi32> to vector<16x1xi32>
      %gather3A_919 = vector.shape_cast %reshape3A_918 : vector<16x1xi32> to vector<16xi32>
      %gather3A_920 = tpu.dynamic_gather %add3A_917[%gather3A_919] in [0] : vector<16xf32>, vector<16xi32> -> vector<16xf32>
      %add3A_921 = arith.addf %add3A_917, %gather3A_920 : vector<16xf32>
      %select_n3A_922 = arith.select %eq3A_905, %add3A_921, %select_n3A_861 : vector<16xi1>, vector<16xf32>
      %add3A_923 = arith.constant 10 : i32
      %add3A_924 = arith.addi %mul3A_315, %add3A_923 : i32
      %get3A_925 = arith.index_cast %add3A_924 : i32 to index
      %get3A_926 = arith.constant 0 : index
      %get3A_927 = tpu.vector_load %arg13[%get3A_925, %get3A_926] {strides = array<i32>} : memref<512x64xf32, #tpu.memory_space<vmem>>, vector<1x16xf32>,
      %get3A_928 = vector.shape_cast %get3A_927 : vector<1x16xf32> to vector<16xf32>
      %get3A_929 = arith.index_cast %add3A_924 : i32 to index
      %get3A_930 = arith.constant 0 : index
      %get3A_931 = tpu.vector_load %arg14[%get3A_929, %get3A_930] {strides = array<i32>} : memref<512x64xf32, #tpu.memory_space<vmem>>, vector<1x16xf32>,
      %get3A_932 = vector.shape_cast %get3A_931 : vector<1x16xf32> to vector<16xf32>
      %mul3A_933 = arith.mulf %get3A_928, %get3A_932 : vector<16xf32>
      %get3A_934 = arith.index_cast %add3A_924 : i32 to index
      %get3A_935 = arith.constant 16 : index
      %get3A_936 = tpu.vector_load %arg13[%get3A_934, %get3A_935] {strides = array<i32>} : memref<512x64xf32, #tpu.memory_space<vmem>>, vector<1x16xf32>,
      %get3A_937 = vector.shape_cast %get3A_936 : vector<1x16xf32> to vector<16xf32>
      %get3A_938 = arith.index_cast %add3A_924 : i32 to index
      %get3A_939 = arith.constant 16 : index
      %get3A_940 = tpu.vector_load %arg14[%get3A_938, %get3A_939] {strides = array<i32>} : memref<512x64xf32, #tpu.memory_space<vmem>>, vector<1x16xf32>,
      %get3A_941 = vector.shape_cast %get3A_940 : vector<1x16xf32> to vector<16xf32>
      %mul3A_942 = arith.mulf %get3A_937, %get3A_941 : vector<16xf32>
      %add3A_943 = arith.addf %mul3A_933, %mul3A_942 : vector<16xf32>
      %get3A_944 = arith.index_cast %add3A_924 : i32 to index
      %get3A_945 = arith.constant 32 : index
      %get3A_946 = tpu.vector_load %arg13[%get3A_944, %get3A_945] {strides = array<i32>} : memref<512x64xf32, #tpu.memory_space<vmem>>, vector<1x16xf32>,
      %get3A_947 = vector.shape_cast %get3A_946 : vector<1x16xf32> to vector<16xf32>
      %get3A_948 = arith.index_cast %add3A_924 : i32 to index
      %get3A_949 = arith.constant 32 : index
      %get3A_950 = tpu.vector_load %arg14[%get3A_948, %get3A_949] {strides = array<i32>} : memref<512x64xf32, #tpu.memory_space<vmem>>, vector<1x16xf32>,
      %get3A_951 = vector.shape_cast %get3A_950 : vector<1x16xf32> to vector<16xf32>
      %mul3A_952 = arith.mulf %get3A_947, %get3A_951 : vector<16xf32>
      %add3A_953 = arith.addf %add3A_943, %mul3A_952 : vector<16xf32>
      %get3A_954 = arith.index_cast %add3A_924 : i32 to index
      %get3A_955 = arith.constant 48 : index
      %get3A_956 = tpu.vector_load %arg13[%get3A_954, %get3A_955] {strides = array<i32>} : memref<512x64xf32, #tpu.memory_space<vmem>>, vector<1x16xf32>,
      %get3A_957 = vector.shape_cast %get3A_956 : vector<1x16xf32> to vector<16xf32>
      %get3A_958 = arith.index_cast %add3A_924 : i32 to index
      %get3A_959 = arith.constant 48 : index
      %get3A_960 = tpu.vector_load %arg14[%get3A_958, %get3A_959] {strides = array<i32>} : memref<512x64xf32, #tpu.memory_space<vmem>>, vector<1x16xf32>,
      %get3A_961 = vector.shape_cast %get3A_960 : vector<1x16xf32> to vector<16xf32>
      %mul3A_962 = arith.mulf %get3A_957, %get3A_961 : vector<16xf32>
      %add3A_963 = arith.addf %add3A_953, %mul3A_962 : vector<16xf32>
      %eq3A_964 = arith.constant 10 : i32
      %eq3A_965 = vector.broadcast %eq3A_964 : i32 to vector<16xi32>
      %eq3A_966 = arith.cmpi eq, %iota3A, %eq3A_965 : vector<16xi32>
      %reshape3A_967 = vector.shape_cast %xor3A_298 : vector<16xi32> to vector<16x1xi32>
      %gather3A_968 = vector.shape_cast %reshape3A_967 : vector<16x1xi32> to vector<16xi32>
      %gather3A_969 = tpu.dynamic_gather %add3A_963[%gather3A_968] in [0] : vector<16xf32>, vector<16xi32> -> vector<16xf32>
      %add3A_970 = arith.addf %add3A_963, %gather3A_969 : vector<16xf32>
      %reshape3A_971 = vector.shape_cast %xor3A_301 : vector<16xi32> to vector<16x1xi32>
      %gather3A_972 = vector.shape_cast %reshape3A_971 : vector<16x1xi32> to vector<16xi32>
      %gather3A_973 = tpu.dynamic_gather %add3A_970[%gather3A_972] in [0] : vector<16xf32>, vector<16xi32> -> vector<16xf32>
      %add3A_974 = arith.addf %add3A_970, %gather3A_973 : vector<16xf32>
      %reshape3A_975 = vector.shape_cast %xor3A_304 : vector<16xi32> to vector<16x1xi32>
      %gather3A_976 = vector.shape_cast %reshape3A_975 : vector<16x1xi32> to vector<16xi32>
      %gather3A_977 = tpu.dynamic_gather %add3A_974[%gather3A_976] in [0] : vector<16xf32>, vector<16xi32> -> vector<16xf32>
      %add3A_978 = arith.addf %add3A_974, %gather3A_977 : vector<16xf32>
      %reshape3A_979 = vector.shape_cast %xor3A_307 : vector<16xi32> to vector<16x1xi32>
      %gather3A_980 = vector.shape_cast %reshape3A_979 : vector<16x1xi32> to vector<16xi32>
      %gather3A_981 = tpu.dynamic_gather %add3A_978[%gather3A_980] in [0] : vector<16xf32>, vector<16xi32> -> vector<16xf32>
      %add3A_982 = arith.addf %add3A_978, %gather3A_981 : vector<16xf32>
      %select_n3A_983 = arith.select %eq3A_966, %add3A_982, %select_n3A_922 : vector<16xi1>, vector<16xf32>
      %add3A_984 = arith.constant 11 : i32
      %add3A_985 = arith.addi %mul3A_315, %add3A_984 : i32
      %get3A_986 = arith.index_cast %add3A_985 : i32 to index
      %get3A_987 = arith.constant 0 : index
      %get3A_988 = tpu.vector_load %arg13[%get3A_986, %get3A_987] {strides = array<i32>} : memref<512x64xf32, #tpu.memory_space<vmem>>, vector<1x16xf32>,
      %get3A_989 = vector.shape_cast %get3A_988 : vector<1x16xf32> to vector<16xf32>
      %get3A_990 = arith.index_cast %add3A_985 : i32 to index
      %get3A_991 = arith.constant 0 : index
      %get3A_992 = tpu.vector_load %arg14[%get3A_990, %get3A_991] {strides = array<i32>} : memref<512x64xf32, #tpu.memory_space<vmem>>, vector<1x16xf32>,
      %get3A_993 = vector.shape_cast %get3A_992 : vector<1x16xf32> to vector<16xf32>
      %mul3A_994 = arith.mulf %get3A_989, %get3A_993 : vector<16xf32>
      %get3A_995 = arith.index_cast %add3A_985 : i32 to index
      %get3A_996 = arith.constant 16 : index
      %get3A_997 = tpu.vector_load %arg13[%get3A_995, %get3A_996] {strides = array<i32>} : memref<512x64xf32, #tpu.memory_space<vmem>>, vector<1x16xf32>,
      %get3A_998 = vector.shape_cast %get3A_997 : vector<1x16xf32> to vector<16xf32>
      %get3A_999 = arith.index_cast %add3A_985 : i32 to index
      %get3A_1000 = arith.constant 16 : index
      %get3A_1001 = tpu.vector_load %arg14[%get3A_999, %get3A_1000] {strides = array<i32>} : memref<512x64xf32, #tpu.memory_space<vmem>>, vector<1x16xf32>,
      %get3A_1002 = vector.shape_cast %get3A_1001 : vector<1x16xf32> to vector<16xf32>
      %mul3A_1003 = arith.mulf %get3A_998, %get3A_1002 : vector<16xf32>
      %add3A_1004 = arith.addf %mul3A_994, %mul3A_1003 : vector<16xf32>
      %get3A_1005 = arith.index_cast %add3A_985 : i32 to index
      %get3A_1006 = arith.constant 32 : index
      %get3A_1007 = tpu.vector_load %arg13[%get3A_1005, %get3A_1006] {strides = array<i32>} : memref<512x64xf32, #tpu.memory_space<vmem>>, vector<1x16xf32>,
      %get3A_1008 = vector.shape_cast %get3A_1007 : vector<1x16xf32> to vector<16xf32>
      %get3A_1009 = arith.index_cast %add3A_985 : i32 to index
      %get3A_1010 = arith.constant 32 : index
      %get3A_1011 = tpu.vector_load %arg14[%get3A_1009, %get3A_1010] {strides = array<i32>} : memref<512x64xf32, #tpu.memory_space<vmem>>, vector<1x16xf32>,
      %get3A_1012 = vector.shape_cast %get3A_1011 : vector<1x16xf32> to vector<16xf32>
      %mul3A_1013 = arith.mulf %get3A_1008, %get3A_1012 : vector<16xf32>
      %add3A_1014 = arith.addf %add3A_1004, %mul3A_1013 : vector<16xf32>
      %get3A_1015 = arith.index_cast %add3A_985 : i32 to index
      %get3A_1016 = arith.constant 48 : index
      %get3A_1017 = tpu.vector_load %arg13[%get3A_1015, %get3A_1016] {strides = array<i32>} : memref<512x64xf32, #tpu.memory_space<vmem>>, vector<1x16xf32>,
      %get3A_1018 = vector.shape_cast %get3A_1017 : vector<1x16xf32> to vector<16xf32>
      %get3A_1019 = arith.index_cast %add3A_985 : i32 to index
      %get3A_1020 = arith.constant 48 : index
      %get3A_1021 = tpu.vector_load %arg14[%get3A_1019, %get3A_1020] {strides = array<i32>} : memref<512x64xf32, #tpu.memory_space<vmem>>, vector<1x16xf32>,
      %get3A_1022 = vector.shape_cast %get3A_1021 : vector<1x16xf32> to vector<16xf32>
      %mul3A_1023 = arith.mulf %get3A_1018, %get3A_1022 : vector<16xf32>
      %add3A_1024 = arith.addf %add3A_1014, %mul3A_1023 : vector<16xf32>
      %eq3A_1025 = arith.constant 11 : i32
      %eq3A_1026 = vector.broadcast %eq3A_1025 : i32 to vector<16xi32>
      %eq3A_1027 = arith.cmpi eq, %iota3A, %eq3A_1026 : vector<16xi32>
      %reshape3A_1028 = vector.shape_cast %xor3A_298 : vector<16xi32> to vector<16x1xi32>
      %gather3A_1029 = vector.shape_cast %reshape3A_1028 : vector<16x1xi32> to vector<16xi32>
      %gather3A_1030 = tpu.dynamic_gather %add3A_1024[%gather3A_1029] in [0] : vector<16xf32>, vector<16xi32> -> vector<16xf32>
      %add3A_1031 = arith.addf %add3A_1024, %gather3A_1030 : vector<16xf32>
      %reshape3A_1032 = vector.shape_cast %xor3A_301 : vector<16xi32> to vector<16x1xi32>
      %gather3A_1033 = vector.shape_cast %reshape3A_1032 : vector<16x1xi32> to vector<16xi32>
      %gather3A_1034 = tpu.dynamic_gather %add3A_1031[%gather3A_1033] in [0] : vector<16xf32>, vector<16xi32> -> vector<16xf32>
      %add3A_1035 = arith.addf %add3A_1031, %gather3A_1034 : vector<16xf32>
      %reshape3A_1036 = vector.shape_cast %xor3A_304 : vector<16xi32> to vector<16x1xi32>
      %gather3A_1037 = vector.shape_cast %reshape3A_1036 : vector<16x1xi32> to vector<16xi32>
      %gather3A_1038 = tpu.dynamic_gather %add3A_1035[%gather3A_1037] in [0] : vector<16xf32>, vector<16xi32> -> vector<16xf32>
      %add3A_1039 = arith.addf %add3A_1035, %gather3A_1038 : vector<16xf32>
      %reshape3A_1040 = vector.shape_cast %xor3A_307 : vector<16xi32> to vector<16x1xi32>
      %gather3A_1041 = vector.shape_cast %reshape3A_1040 : vector<16x1xi32> to vector<16xi32>
      %gather3A_1042 = tpu.dynamic_gather %add3A_1039[%gather3A_1041] in [0] : vector<16xf32>, vector<16xi32> -> vector<16xf32>
      %add3A_1043 = arith.addf %add3A_1039, %gather3A_1042 : vector<16xf32>
      %select_n3A_1044 = arith.select %eq3A_1027, %add3A_1043, %select_n3A_983 : vector<16xi1>, vector<16xf32>
      %add3A_1045 = arith.constant 12 : i32
      %add3A_1046 = arith.addi %mul3A_315, %add3A_1045 : i32
      %get3A_1047 = arith.index_cast %add3A_1046 : i32 to index
      %get3A_1048 = arith.constant 0 : index
      %get3A_1049 = tpu.vector_load %arg13[%get3A_1047, %get3A_1048] {strides = array<i32>} : memref<512x64xf32, #tpu.memory_space<vmem>>, vector<1x16xf32>,
      %get3A_1050 = vector.shape_cast %get3A_1049 : vector<1x16xf32> to vector<16xf32>
      %get3A_1051 = arith.index_cast %add3A_1046 : i32 to index
      %get3A_1052 = arith.constant 0 : index
      %get3A_1053 = tpu.vector_load %arg14[%get3A_1051, %get3A_1052] {strides = array<i32>} : memref<512x64xf32, #tpu.memory_space<vmem>>, vector<1x16xf32>,
      %get3A_1054 = vector.shape_cast %get3A_1053 : vector<1x16xf32> to vector<16xf32>
      %mul3A_1055 = arith.mulf %get3A_1050, %get3A_1054 : vector<16xf32>
      %get3A_1056 = arith.index_cast %add3A_1046 : i32 to index
      %get3A_1057 = arith.constant 16 : index
      %get3A_1058 = tpu.vector_load %arg13[%get3A_1056, %get3A_1057] {strides = array<i32>} : memref<512x64xf32, #tpu.memory_space<vmem>>, vector<1x16xf32>,
      %get3A_1059 = vector.shape_cast %get3A_1058 : vector<1x16xf32> to vector<16xf32>
      %get3A_1060 = arith.index_cast %add3A_1046 : i32 to index
      %get3A_1061 = arith.constant 16 : index
      %get3A_1062 = tpu.vector_load %arg14[%get3A_1060, %get3A_1061] {strides = array<i32>} : memref<512x64xf32, #tpu.memory_space<vmem>>, vector<1x16xf32>,
      %get3A_1063 = vector.shape_cast %get3A_1062 : vector<1x16xf32> to vector<16xf32>
      %mul3A_1064 = arith.mulf %get3A_1059, %get3A_1063 : vector<16xf32>
      %add3A_1065 = arith.addf %mul3A_1055, %mul3A_1064 : vector<16xf32>
      %get3A_1066 = arith.index_cast %add3A_1046 : i32 to index
      %get3A_1067 = arith.constant 32 : index
      %get3A_1068 = tpu.vector_load %arg13[%get3A_1066, %get3A_1067] {strides = array<i32>} : memref<512x64xf32, #tpu.memory_space<vmem>>, vector<1x16xf32>,
      %get3A_1069 = vector.shape_cast %get3A_1068 : vector<1x16xf32> to vector<16xf32>
      %get3A_1070 = arith.index_cast %add3A_1046 : i32 to index
      %get3A_1071 = arith.constant 32 : index
      %get3A_1072 = tpu.vector_load %arg14[%get3A_1070, %get3A_1071] {strides = array<i32>} : memref<512x64xf32, #tpu.memory_space<vmem>>, vector<1x16xf32>,
      %get3A_1073 = vector.shape_cast %get3A_1072 : vector<1x16xf32> to vector<16xf32>
      %mul3A_1074 = arith.mulf %get3A_1069, %get3A_1073 : vector<16xf32>
      %add3A_1075 = arith.addf %add3A_1065, %mul3A_1074 : vector<16xf32>
      %get3A_1076 = arith.index_cast %add3A_1046 : i32 to index
      %get3A_1077 = arith.constant 48 : index
      %get3A_1078 = tpu.vector_load %arg13[%get3A_1076, %get3A_1077] {strides = array<i32>} : memref<512x64xf32, #tpu.memory_space<vmem>>, vector<1x16xf32>,
      %get3A_1079 = vector.shape_cast %get3A_1078 : vector<1x16xf32> to vector<16xf32>
      %get3A_1080 = arith.index_cast %add3A_1046 : i32 to index
      %get3A_1081 = arith.constant 48 : index
      %get3A_1082 = tpu.vector_load %arg14[%get3A_1080, %get3A_1081] {strides = array<i32>} : memref<512x64xf32, #tpu.memory_space<vmem>>, vector<1x16xf32>,
      %get3A_1083 = vector.shape_cast %get3A_1082 : vector<1x16xf32> to vector<16xf32>
      %mul3A_1084 = arith.mulf %get3A_1079, %get3A_1083 : vector<16xf32>
      %add3A_1085 = arith.addf %add3A_1075, %mul3A_1084 : vector<16xf32>
      %eq3A_1086 = arith.constant 12 : i32
      %eq3A_1087 = vector.broadcast %eq3A_1086 : i32 to vector<16xi32>
      %eq3A_1088 = arith.cmpi eq, %iota3A, %eq3A_1087 : vector<16xi32>
      %reshape3A_1089 = vector.shape_cast %xor3A_298 : vector<16xi32> to vector<16x1xi32>
      %gather3A_1090 = vector.shape_cast %reshape3A_1089 : vector<16x1xi32> to vector<16xi32>
      %gather3A_1091 = tpu.dynamic_gather %add3A_1085[%gather3A_1090] in [0] : vector<16xf32>, vector<16xi32> -> vector<16xf32>
      %add3A_1092 = arith.addf %add3A_1085, %gather3A_1091 : vector<16xf32>
      %reshape3A_1093 = vector.shape_cast %xor3A_301 : vector<16xi32> to vector<16x1xi32>
      %gather3A_1094 = vector.shape_cast %reshape3A_1093 : vector<16x1xi32> to vector<16xi32>
      %gather3A_1095 = tpu.dynamic_gather %add3A_1092[%gather3A_1094] in [0] : vector<16xf32>, vector<16xi32> -> vector<16xf32>
      %add3A_1096 = arith.addf %add3A_1092, %gather3A_1095 : vector<16xf32>
      %reshape3A_1097 = vector.shape_cast %xor3A_304 : vector<16xi32> to vector<16x1xi32>
      %gather3A_1098 = vector.shape_cast %reshape3A_1097 : vector<16x1xi32> to vector<16xi32>
      %gather3A_1099 = tpu.dynamic_gather %add3A_1096[%gather3A_1098] in [0] : vector<16xf32>, vector<16xi32> -> vector<16xf32>
      %add3A_1100 = arith.addf %add3A_1096, %gather3A_1099 : vector<16xf32>
      %reshape3A_1101 = vector.shape_cast %xor3A_307 : vector<16xi32> to vector<16x1xi32>
      %gather3A_1102 = vector.shape_cast %reshape3A_1101 : vector<16x1xi32> to vector<16xi32>
      %gather3A_1103 = tpu.dynamic_gather %add3A_1100[%gather3A_1102] in [0] : vector<16xf32>, vector<16xi32> -> vector<16xf32>
      %add3A_1104 = arith.addf %add3A_1100, %gather3A_1103 : vector<16xf32>
      %select_n3A_1105 = arith.select %eq3A_1088, %add3A_1104, %select_n3A_1044 : vector<16xi1>, vector<16xf32>
      %add3A_1106 = arith.constant 13 : i32
      %add3A_1107 = arith.addi %mul3A_315, %add3A_1106 : i32
      %get3A_1108 = arith.index_cast %add3A_1107 : i32 to index
      %get3A_1109 = arith.constant 0 : index
      %get3A_1110 = tpu.vector_load %arg13[%get3A_1108, %get3A_1109] {strides = array<i32>} : memref<512x64xf32, #tpu.memory_space<vmem>>, vector<1x16xf32>,
      %get3A_1111 = vector.shape_cast %get3A_1110 : vector<1x16xf32> to vector<16xf32>
      %get3A_1112 = arith.index_cast %add3A_1107 : i32 to index
      %get3A_1113 = arith.constant 0 : index
      %get3A_1114 = tpu.vector_load %arg14[%get3A_1112, %get3A_1113] {strides = array<i32>} : memref<512x64xf32, #tpu.memory_space<vmem>>, vector<1x16xf32>,
      %get3A_1115 = vector.shape_cast %get3A_1114 : vector<1x16xf32> to vector<16xf32>
      %mul3A_1116 = arith.mulf %get3A_1111, %get3A_1115 : vector<16xf32>
      %get3A_1117 = arith.index_cast %add3A_1107 : i32 to index
      %get3A_1118 = arith.constant 16 : index
      %get3A_1119 = tpu.vector_load %arg13[%get3A_1117, %get3A_1118] {strides = array<i32>} : memref<512x64xf32, #tpu.memory_space<vmem>>, vector<1x16xf32>,
      %get3A_1120 = vector.shape_cast %get3A_1119 : vector<1x16xf32> to vector<16xf32>
      %get3A_1121 = arith.index_cast %add3A_1107 : i32 to index
      %get3A_1122 = arith.constant 16 : index
      %get3A_1123 = tpu.vector_load %arg14[%get3A_1121, %get3A_1122] {strides = array<i32>} : memref<512x64xf32, #tpu.memory_space<vmem>>, vector<1x16xf32>,
      %get3A_1124 = vector.shape_cast %get3A_1123 : vector<1x16xf32> to vector<16xf32>
      %mul3A_1125 = arith.mulf %get3A_1120, %get3A_1124 : vector<16xf32>
      %add3A_1126 = arith.addf %mul3A_1116, %mul3A_1125 : vector<16xf32>
      %get3A_1127 = arith.index_cast %add3A_1107 : i32 to index
      %get3A_1128 = arith.constant 32 : index
      %get3A_1129 = tpu.vector_load %arg13[%get3A_1127, %get3A_1128] {strides = array<i32>} : memref<512x64xf32, #tpu.memory_space<vmem>>, vector<1x16xf32>,
      %get3A_1130 = vector.shape_cast %get3A_1129 : vector<1x16xf32> to vector<16xf32>
      %get3A_1131 = arith.index_cast %add3A_1107 : i32 to index
      %get3A_1132 = arith.constant 32 : index
      %get3A_1133 = tpu.vector_load %arg14[%get3A_1131, %get3A_1132] {strides = array<i32>} : memref<512x64xf32, #tpu.memory_space<vmem>>, vector<1x16xf32>,
      %get3A_1134 = vector.shape_cast %get3A_1133 : vector<1x16xf32> to vector<16xf32>
      %mul3A_1135 = arith.mulf %get3A_1130, %get3A_1134 : vector<16xf32>
      %add3A_1136 = arith.addf %add3A_1126, %mul3A_1135 : vector<16xf32>
      %get3A_1137 = arith.index_cast %add3A_1107 : i32 to index
      %get3A_1138 = arith.constant 48 : index
      %get3A_1139 = tpu.vector_load %arg13[%get3A_1137, %get3A_1138] {strides = array<i32>} : memref<512x64xf32, #tpu.memory_space<vmem>>, vector<1x16xf32>,
      %get3A_1140 = vector.shape_cast %get3A_1139 : vector<1x16xf32> to vector<16xf32>
      %get3A_1141 = arith.index_cast %add3A_1107 : i32 to index
      %get3A_1142 = arith.constant 48 : index
      %get3A_1143 = tpu.vector_load %arg14[%get3A_1141, %get3A_1142] {strides = array<i32>} : memref<512x64xf32, #tpu.memory_space<vmem>>, vector<1x16xf32>,
      %get3A_1144 = vector.shape_cast %get3A_1143 : vector<1x16xf32> to vector<16xf32>
      %mul3A_1145 = arith.mulf %get3A_1140, %get3A_1144 : vector<16xf32>
      %add3A_1146 = arith.addf %add3A_1136, %mul3A_1145 : vector<16xf32>
      %eq3A_1147 = arith.constant 13 : i32
      %eq3A_1148 = vector.broadcast %eq3A_1147 : i32 to vector<16xi32>
      %eq3A_1149 = arith.cmpi eq, %iota3A, %eq3A_1148 : vector<16xi32>
      %reshape3A_1150 = vector.shape_cast %xor3A_298 : vector<16xi32> to vector<16x1xi32>
      %gather3A_1151 = vector.shape_cast %reshape3A_1150 : vector<16x1xi32> to vector<16xi32>
      %gather3A_1152 = tpu.dynamic_gather %add3A_1146[%gather3A_1151] in [0] : vector<16xf32>, vector<16xi32> -> vector<16xf32>
      %add3A_1153 = arith.addf %add3A_1146, %gather3A_1152 : vector<16xf32>
      %reshape3A_1154 = vector.shape_cast %xor3A_301 : vector<16xi32> to vector<16x1xi32>
      %gather3A_1155 = vector.shape_cast %reshape3A_1154 : vector<16x1xi32> to vector<16xi32>
      %gather3A_1156 = tpu.dynamic_gather %add3A_1153[%gather3A_1155] in [0] : vector<16xf32>, vector<16xi32> -> vector<16xf32>
      %add3A_1157 = arith.addf %add3A_1153, %gather3A_1156 : vector<16xf32>
      %reshape3A_1158 = vector.shape_cast %xor3A_304 : vector<16xi32> to vector<16x1xi32>
      %gather3A_1159 = vector.shape_cast %reshape3A_1158 : vector<16x1xi32> to vector<16xi32>
      %gather3A_1160 = tpu.dynamic_gather %add3A_1157[%gather3A_1159] in [0] : vector<16xf32>, vector<16xi32> -> vector<16xf32>
      %add3A_1161 = arith.addf %add3A_1157, %gather3A_1160 : vector<16xf32>
      %reshape3A_1162 = vector.shape_cast %xor3A_307 : vector<16xi32> to vector<16x1xi32>
      %gather3A_1163 = vector.shape_cast %reshape3A_1162 : vector<16x1xi32> to vector<16xi32>
      %gather3A_1164 = tpu.dynamic_gather %add3A_1161[%gather3A_1163] in [0] : vector<16xf32>, vector<16xi32> -> vector<16xf32>
      %add3A_1165 = arith.addf %add3A_1161, %gather3A_1164 : vector<16xf32>
      %select_n3A_1166 = arith.select %eq3A_1149, %add3A_1165, %select_n3A_1105 : vector<16xi1>, vector<16xf32>
      %add3A_1167 = arith.constant 14 : i32
      %add3A_1168 = arith.addi %mul3A_315, %add3A_1167 : i32
      %get3A_1169 = arith.index_cast %add3A_1168 : i32 to index
      %get3A_1170 = arith.constant 0 : index
      %get3A_1171 = tpu.vector_load %arg13[%get3A_1169, %get3A_1170] {strides = array<i32>} : memref<512x64xf32, #tpu.memory_space<vmem>>, vector<1x16xf32>,
      %get3A_1172 = vector.shape_cast %get3A_1171 : vector<1x16xf32> to vector<16xf32>
      %get3A_1173 = arith.index_cast %add3A_1168 : i32 to index
      %get3A_1174 = arith.constant 0 : index
      %get3A_1175 = tpu.vector_load %arg14[%get3A_1173, %get3A_1174] {strides = array<i32>} : memref<512x64xf32, #tpu.memory_space<vmem>>, vector<1x16xf32>,
      %get3A_1176 = vector.shape_cast %get3A_1175 : vector<1x16xf32> to vector<16xf32>
      %mul3A_1177 = arith.mulf %get3A_1172, %get3A_1176 : vector<16xf32>
      %get3A_1178 = arith.index_cast %add3A_1168 : i32 to index
      %get3A_1179 = arith.constant 16 : index
      %get3A_1180 = tpu.vector_load %arg13[%get3A_1178, %get3A_1179] {strides = array<i32>} : memref<512x64xf32, #tpu.memory_space<vmem>>, vector<1x16xf32>,
      %get3A_1181 = vector.shape_cast %get3A_1180 : vector<1x16xf32> to vector<16xf32>
      %get3A_1182 = arith.index_cast %add3A_1168 : i32 to index
      %get3A_1183 = arith.constant 16 : index
      %get3A_1184 = tpu.vector_load %arg14[%get3A_1182, %get3A_1183] {strides = array<i32>} : memref<512x64xf32, #tpu.memory_space<vmem>>, vector<1x16xf32>,
      %get3A_1185 = vector.shape_cast %get3A_1184 : vector<1x16xf32> to vector<16xf32>
      %mul3A_1186 = arith.mulf %get3A_1181, %get3A_1185 : vector<16xf32>
      %add3A_1187 = arith.addf %mul3A_1177, %mul3A_1186 : vector<16xf32>
      %get3A_1188 = arith.index_cast %add3A_1168 : i32 to index
      %get3A_1189 = arith.constant 32 : index
      %get3A_1190 = tpu.vector_load %arg13[%get3A_1188, %get3A_1189] {strides = array<i32>} : memref<512x64xf32, #tpu.memory_space<vmem>>, vector<1x16xf32>,
      %get3A_1191 = vector.shape_cast %get3A_1190 : vector<1x16xf32> to vector<16xf32>
      %get3A_1192 = arith.index_cast %add3A_1168 : i32 to index
      %get3A_1193 = arith.constant 32 : index
      %get3A_1194 = tpu.vector_load %arg14[%get3A_1192, %get3A_1193] {strides = array<i32>} : memref<512x64xf32, #tpu.memory_space<vmem>>, vector<1x16xf32>,
      %get3A_1195 = vector.shape_cast %get3A_1194 : vector<1x16xf32> to vector<16xf32>
      %mul3A_1196 = arith.mulf %get3A_1191, %get3A_1195 : vector<16xf32>
      %add3A_1197 = arith.addf %add3A_1187, %mul3A_1196 : vector<16xf32>
      %get3A_1198 = arith.index_cast %add3A_1168 : i32 to index
      %get3A_1199 = arith.constant 48 : index
      %get3A_1200 = tpu.vector_load %arg13[%get3A_1198, %get3A_1199] {strides = array<i32>} : memref<512x64xf32, #tpu.memory_space<vmem>>, vector<1x16xf32>,
      %get3A_1201 = vector.shape_cast %get3A_1200 : vector<1x16xf32> to vector<16xf32>
      %get3A_1202 = arith.index_cast %add3A_1168 : i32 to index
      %get3A_1203 = arith.constant 48 : index
      %get3A_1204 = tpu.vector_load %arg14[%get3A_1202, %get3A_1203] {strides = array<i32>} : memref<512x64xf32, #tpu.memory_space<vmem>>, vector<1x16xf32>,
      %get3A_1205 = vector.shape_cast %get3A_1204 : vector<1x16xf32> to vector<16xf32>
      %mul3A_1206 = arith.mulf %get3A_1201, %get3A_1205 : vector<16xf32>
      %add3A_1207 = arith.addf %add3A_1197, %mul3A_1206 : vector<16xf32>
      %eq3A_1208 = arith.constant 14 : i32
      %eq3A_1209 = vector.broadcast %eq3A_1208 : i32 to vector<16xi32>
      %eq3A_1210 = arith.cmpi eq, %iota3A, %eq3A_1209 : vector<16xi32>
      %reshape3A_1211 = vector.shape_cast %xor3A_298 : vector<16xi32> to vector<16x1xi32>
      %gather3A_1212 = vector.shape_cast %reshape3A_1211 : vector<16x1xi32> to vector<16xi32>
      %gather3A_1213 = tpu.dynamic_gather %add3A_1207[%gather3A_1212] in [0] : vector<16xf32>, vector<16xi32> -> vector<16xf32>
      %add3A_1214 = arith.addf %add3A_1207, %gather3A_1213 : vector<16xf32>
      %reshape3A_1215 = vector.shape_cast %xor3A_301 : vector<16xi32> to vector<16x1xi32>
      %gather3A_1216 = vector.shape_cast %reshape3A_1215 : vector<16x1xi32> to vector<16xi32>
      %gather3A_1217 = tpu.dynamic_gather %add3A_1214[%gather3A_1216] in [0] : vector<16xf32>, vector<16xi32> -> vector<16xf32>
      %add3A_1218 = arith.addf %add3A_1214, %gather3A_1217 : vector<16xf32>
      %reshape3A_1219 = vector.shape_cast %xor3A_304 : vector<16xi32> to vector<16x1xi32>
      %gather3A_1220 = vector.shape_cast %reshape3A_1219 : vector<16x1xi32> to vector<16xi32>
      %gather3A_1221 = tpu.dynamic_gather %add3A_1218[%gather3A_1220] in [0] : vector<16xf32>, vector<16xi32> -> vector<16xf32>
      %add3A_1222 = arith.addf %add3A_1218, %gather3A_1221 : vector<16xf32>
      %reshape3A_1223 = vector.shape_cast %xor3A_307 : vector<16xi32> to vector<16x1xi32>
      %gather3A_1224 = vector.shape_cast %reshape3A_1223 : vector<16x1xi32> to vector<16xi32>
      %gather3A_1225 = tpu.dynamic_gather %add3A_1222[%gather3A_1224] in [0] : vector<16xf32>, vector<16xi32> -> vector<16xf32>
      %add3A_1226 = arith.addf %add3A_1222, %gather3A_1225 : vector<16xf32>
      %select_n3A_1227 = arith.select %eq3A_1210, %add3A_1226, %select_n3A_1166 : vector<16xi1>, vector<16xf32>
      %add3A_1228 = arith.constant 15 : i32
      %add3A_1229 = arith.addi %mul3A_315, %add3A_1228 : i32
      %get3A_1230 = arith.index_cast %add3A_1229 : i32 to index
      %get3A_1231 = arith.constant 0 : index
      %get3A_1232 = tpu.vector_load %arg13[%get3A_1230, %get3A_1231] {strides = array<i32>} : memref<512x64xf32, #tpu.memory_space<vmem>>, vector<1x16xf32>,
      %get3A_1233 = vector.shape_cast %get3A_1232 : vector<1x16xf32> to vector<16xf32>
      %get3A_1234 = arith.index_cast %add3A_1229 : i32 to index
      %get3A_1235 = arith.constant 0 : index
      %get3A_1236 = tpu.vector_load %arg14[%get3A_1234, %get3A_1235] {strides = array<i32>} : memref<512x64xf32, #tpu.memory_space<vmem>>, vector<1x16xf32>,
      %get3A_1237 = vector.shape_cast %get3A_1236 : vector<1x16xf32> to vector<16xf32>
      %mul3A_1238 = arith.mulf %get3A_1233, %get3A_1237 : vector<16xf32>
      %get3A_1239 = arith.index_cast %add3A_1229 : i32 to index
      %get3A_1240 = arith.constant 16 : index
      %get3A_1241 = tpu.vector_load %arg13[%get3A_1239, %get3A_1240] {strides = array<i32>} : memref<512x64xf32, #tpu.memory_space<vmem>>, vector<1x16xf32>,
      %get3A_1242 = vector.shape_cast %get3A_1241 : vector<1x16xf32> to vector<16xf32>
      %get3A_1243 = arith.index_cast %add3A_1229 : i32 to index
      %get3A_1244 = arith.constant 16 : index
      %get3A_1245 = tpu.vector_load %arg14[%get3A_1243, %get3A_1244] {strides = array<i32>} : memref<512x64xf32, #tpu.memory_space<vmem>>, vector<1x16xf32>,
      %get3A_1246 = vector.shape_cast %get3A_1245 : vector<1x16xf32> to vector<16xf32>
      %mul3A_1247 = arith.mulf %get3A_1242, %get3A_1246 : vector<16xf32>
      %add3A_1248 = arith.addf %mul3A_1238, %mul3A_1247 : vector<16xf32>
      %get3A_1249 = arith.index_cast %add3A_1229 : i32 to index
      %get3A_1250 = arith.constant 32 : index
      %get3A_1251 = tpu.vector_load %arg13[%get3A_1249, %get3A_1250] {strides = array<i32>} : memref<512x64xf32, #tpu.memory_space<vmem>>, vector<1x16xf32>,
      %get3A_1252 = vector.shape_cast %get3A_1251 : vector<1x16xf32> to vector<16xf32>
      %get3A_1253 = arith.index_cast %add3A_1229 : i32 to index
      %get3A_1254 = arith.constant 32 : index
      %get3A_1255 = tpu.vector_load %arg14[%get3A_1253, %get3A_1254] {strides = array<i32>} : memref<512x64xf32, #tpu.memory_space<vmem>>, vector<1x16xf32>,
      %get3A_1256 = vector.shape_cast %get3A_1255 : vector<1x16xf32> to vector<16xf32>
      %mul3A_1257 = arith.mulf %get3A_1252, %get3A_1256 : vector<16xf32>
      %add3A_1258 = arith.addf %add3A_1248, %mul3A_1257 : vector<16xf32>
      %get3A_1259 = arith.index_cast %add3A_1229 : i32 to index
      %get3A_1260 = arith.constant 48 : index
      %get3A_1261 = tpu.vector_load %arg13[%get3A_1259, %get3A_1260] {strides = array<i32>} : memref<512x64xf32, #tpu.memory_space<vmem>>, vector<1x16xf32>,
      %get3A_1262 = vector.shape_cast %get3A_1261 : vector<1x16xf32> to vector<16xf32>
      %get3A_1263 = arith.index_cast %add3A_1229 : i32 to index
      %get3A_1264 = arith.constant 48 : index
      %get3A_1265 = tpu.vector_load %arg14[%get3A_1263, %get3A_1264] {strides = array<i32>} : memref<512x64xf32, #tpu.memory_space<vmem>>, vector<1x16xf32>,
      %get3A_1266 = vector.shape_cast %get3A_1265 : vector<1x16xf32> to vector<16xf32>
      %mul3A_1267 = arith.mulf %get3A_1262, %get3A_1266 : vector<16xf32>
      %add3A_1268 = arith.addf %add3A_1258, %mul3A_1267 : vector<16xf32>
      %eq3A_1269 = arith.constant 15 : i32
      %eq3A_1270 = vector.broadcast %eq3A_1269 : i32 to vector<16xi32>
      %eq3A_1271 = arith.cmpi eq, %iota3A, %eq3A_1270 : vector<16xi32>
      %reshape3A_1272 = vector.shape_cast %xor3A_298 : vector<16xi32> to vector<16x1xi32>
      %gather3A_1273 = vector.shape_cast %reshape3A_1272 : vector<16x1xi32> to vector<16xi32>
      %gather3A_1274 = tpu.dynamic_gather %add3A_1268[%gather3A_1273] in [0] : vector<16xf32>, vector<16xi32> -> vector<16xf32>
      %add3A_1275 = arith.addf %add3A_1268, %gather3A_1274 : vector<16xf32>
      %reshape3A_1276 = vector.shape_cast %xor3A_301 : vector<16xi32> to vector<16x1xi32>
      %gather3A_1277 = vector.shape_cast %reshape3A_1276 : vector<16x1xi32> to vector<16xi32>
      %gather3A_1278 = tpu.dynamic_gather %add3A_1275[%gather3A_1277] in [0] : vector<16xf32>, vector<16xi32> -> vector<16xf32>
      %add3A_1279 = arith.addf %add3A_1275, %gather3A_1278 : vector<16xf32>
      %reshape3A_1280 = vector.shape_cast %xor3A_304 : vector<16xi32> to vector<16x1xi32>
      %gather3A_1281 = vector.shape_cast %reshape3A_1280 : vector<16x1xi32> to vector<16xi32>
      %gather3A_1282 = tpu.dynamic_gather %add3A_1279[%gather3A_1281] in [0] : vector<16xf32>, vector<16xi32> -> vector<16xf32>
      %add3A_1283 = arith.addf %add3A_1279, %gather3A_1282 : vector<16xf32>
      %reshape3A_1284 = vector.shape_cast %xor3A_307 : vector<16xi32> to vector<16x1xi32>
      %gather3A_1285 = vector.shape_cast %reshape3A_1284 : vector<16x1xi32> to vector<16xi32>
      %gather3A_1286 = tpu.dynamic_gather %add3A_1283[%gather3A_1285] in [0] : vector<16xf32>, vector<16xi32> -> vector<16xf32>
      %add3A_1287 = arith.addf %add3A_1283, %gather3A_1286 : vector<16xf32>
      %select_n3A_1288 = arith.select %eq3A_1271, %add3A_1287, %select_n3A_1227 : vector<16xi1>, vector<16xf32>
      %get3A_1289 = arith.index_cast %mul3A_315 : i32 to index
      %get3A_1290 = tpu.vector_load %arg15[%get3A_1289] {strides = array<i32>} : memref<512xf32, #tpu.memory_space<vmem>>, vector<16xf32>,
      %get3A_1291 = vector.shape_cast %get3A_1290 : vector<16xf32> to vector<16xf32>
      %get3A_1292 = arith.index_cast %mul3A_315 : i32 to index
      %get3A_1293 = tpu.vector_load %arg16[%get3A_1292] {strides = array<i32>} : memref<512xf32, #tpu.memory_space<vmem>>, vector<16xf32>,
      %get3A_1294 = vector.shape_cast %get3A_1293 : vector<16xf32> to vector<16xf32>
      %add3A_1295 = arith.addf %select_n3A_1288, %get3A_1291 : vector<16xf32>
      %add3A_1296 = arith.addf %add3A_1295, %get3A_1294 : vector<16xf32>
      %add3A_1297 = arith.addf %add3A_1296, %get3A_296 : vector<16xf32>
      %swap3A = arith.index_cast %mul3A_315 : i32 to index
      %swap3A_1298 = tpu.vector_load %arg17[%swap3A] {strides = array<i32>} : memref<512xf32, #tpu.memory_space<vmem>>, vector<16xf32>,
      %swap3A_1299 = vector.shape_cast %swap3A_1298 : vector<16xf32> to vector<16xf32>
      %swap3A_1300 = vector.shape_cast %add3A_1297 : vector<16xf32> to vector<16xf32>
      tpu.vector_store %arg17[%swap3A], %swap3A_1300 {strides = array<i32>} : memref<512xf32, #tpu.memory_space<vmem>>, vector<16xf32>,
    }
    %scan3A_312 = arith.constant 32 : i32
    "tpu.region"() ({
      %run_scoped3A = tpu.sem_alloc : memref<!tpu.dma_semaphore, #tpu.memory_space<semaphore_mem>>
      %dma_start3A_313 = tpu.memref_slice %arg9[%mul3A_2] : memref<16384xf32, #tpu.memory_space<hbm>> -> memref<512xf32, #tpu.memory_space<hbm>>
      %dma_start3A_314 = tpu.memref_slice %arg9[%mul3A_2] : memref<16384xf32, #tpu.memory_space<hbm>> -> memref<512xf32, #tpu.memory_space<hbm>>
      tpu.enqueue_dma source(%arg17 : memref<512xf32, #tpu.memory_space<vmem>>) target(%dma_start3A_314 : memref<512xf32, #tpu.memory_space<hbm>>) target_semaphore(%run_scoped3A : memref<!tpu.dma_semaphore, #tpu.memory_space<semaphore_mem>>)
      %dma_wait3A_315 = tpu.memref_slice %arg9[%mul3A_2] : memref<16384xf32, #tpu.memory_space<hbm>> -> memref<512xf32, #tpu.memory_space<hbm>>
      %dma_wait3A_316 = tpu.memref_slice %arg9[%mul3A_2] : memref<16384xf32, #tpu.memory_space<hbm>> -> memref<512xf32, #tpu.memory_space<hbm>>
      tpu.wait_dma2 semaphore(%run_scoped3A : memref<!tpu.dma_semaphore, #tpu.memory_space<semaphore_mem>>) src(%arg17 : memref<512xf32, #tpu.memory_space<vmem>>) dst(%dma_wait3A_316 : memref<512xf32, #tpu.memory_space<hbm>>)
      tpu.yield
    }) : () -> ()
    return
  }
}

</mosaic_0001>

<sc_bundles>
// kernel: _mf.3.cloned.1.call-start
scs
__scs_entry_jumppad:
0x0: {  	(pc) =	sbr.rel $0x88, $3  }
0x1: {  	(tag) =	ssettag $0x0;
	lr =	simm.s32 $0x1  }
0x2: {  	[smem:$0x3F9A] =	sst lr;
	_ =	strace $0xD0000000  }
0x3: {  	_ = 	snop  }
0x4: {  	_ = 	snop  }
0x5: {  	_ = 	snop  }
0x6: {  	_ = 	snop  }
0x7: {  	_ = 	snop  }
__scs_overlays_trampoline_lowered:
0x8: {  	[smem:$0x3FA9] =	sst s0  }
0x9: {  	[smem:$0x3FAA] =	sst s1  }
0xa: {  	[smem:$0x3FAB] =	sst s2  }
0xb: {  	[smem:$0x3FAC] =	sst s3  }
0xc: {  	[smem:$0x3FAD] =	sst s4  }
0xd: {  	[smem:$0x3FAE] =	sst s5  }
0xe: {  	[smem:$0x3FAF] =	sst s6  }
0xf: {  	[smem:$0x3FB0] =	sst s7  }
0x10: {  	[smem:$0x3FB1] =	sst s8  }
0x11: {  	[smem:$0x3FB2] =	sst s9;
	s0 =	simm.s32 @!p0 $0x0  }
0x12: {  	s1 =	sld [smem:$0x3F98];
	s0 =	simm.s32 @p0 $0x1  }
0x13: {  	[smem:$0x3FB3] =	sst s0;
	s0 =	simm.s32 @!p1 $0x0  }
0x14: {  	s2 =	sld [smem:$0x3F97];
	s0 =	simm.s32 @p1 $0x1  }
0x15: {  	[smem:$0x3FB4] =	sst s0;
	s0 =	simm.s32 @!p2 $0x0  }
0x16: {  	s3 =	sld [smem:$0x3FDB];
	s0 =	simm.s32 @p2 $0x1  }
0x17: {  	s4 =	simm.s32 $0x1BF5;
	[smem:$0x3FB6] =	sst s0  }
0x18: {  	s0 =	sld [smem:$0x3F99];
	_ =	swait.ge [sflag:s4], $0x0  }
0x19: {  	s7 =	sld [smem:$0x3F9A]  }
0x1a: {  	s8 =	sadd.s32 $0xFFFFE003, lr  }
0x1b: {  	s9 =	sadd.s32 $0xFFFFFEF7, lr;
	s5 =	simm.s32 $0xFFFFFFFF;
	p2 =	slt.u32 s8, $0xFFFFF086  }
0x1c: {  	p1 =	slt.u32 s9, $0xF7A;
	s5 =	simm.s32 @!p2 $0x0  }
0x1d: {  	s5 =	simm.s32 @p1 $0x1;
	p0 =	seq.s32 s7, s2  }
0x1e: {  	s7 =	smul.u32 @!p0 $0xF7A, s2;
	p2 =	seq.s32 @!p0 s5, $0x0  }
0x1f: {  	s9 =	smul.u32 $0xF7A, s1;
	s8 =	simm.s32 @!p0 $0x1BF5;
	p2 =	por !p2, p0  }
0x20: {  	[sflag:s8] =	ssyncset.s32 @!p0 $0xFFFFF086;
	s6 =	sadd.s32 @!p0 s3, s7;
	s7 =	simm.s32 @!p0 $0x108  }
0x21: {  	s3 =	sadd.s32 s3, s9;
	s6 =	sadd.s32 @!p0 $0x88, s6;
	s7 =	simm.s32 @p2 $0x1082  }
0x22: {  	[simem:s7], [sflag:s8] =	dma.local @!p0 [hbm:s6], $0xF7A  }
0x23: {  	s9 =	sor.u32 $0xD0000000, s2;
	s6 =	simm.s32 $0x108;
	_ =	swait.ge @!p0 [sflag:s8], $0x0  }
0x24: {  	s3 =	sadd.s32 $0x88, s3;
	s6 =	simm.s32 @!p1 $0x1082;
	[sflag:s4] =	ssyncset.s32 $0xFFFFF086  }
0x25: {  	[simem:s6], [sflag:s4] =	dma.local [hbm:s3], $0xF7A  }
0x26: {  	[smem:$0x3F9A] =	sst s1;
	(tag) =	ssettag s2;
	_ =	strace s9  }
0x27: {  	s1 =	sld [smem:$0x3FAA]  }
0x28: {  	s2 =	sld [smem:$0x3FAB]  }
0x29: {  	s4 =	sld [smem:$0x3FAD]  }
0x2a: {  	p0 =	seq.s32 s5, $0x0;
	s5 =	sld [smem:$0x3FAE]  }
0x2b: {  	s6 =	sld [smem:$0x3FAF]  }
0x2c: {  	s7 =	sld [smem:$0x3FB0]  }
0x2d: {  	s3 =	simm.s32 $0x108;
	s8 =	sld [smem:$0x3FB1]  }
0x2e: {  	s3 =	simm.s32 @!p0 $0x1082;
	s9 =	sld [smem:$0x3FB2]  }
0x2f: {  	lr =	sadd.s32 s0, s3;
	s0 =	sld [smem:$0x3FA9]  }
0x30: {  	s3 =	sld [smem:$0x3FAC]  }
0x31: {  	[smem:$0x3FB5] =	sst s10  }
0x32: {  	s10 =	sld [smem:$0x3FB3];
	_ =	sdelay $0x3  }
0x33: {  	p0 =	seq.s32 s10, $0x1;
	s10 =	sld [smem:$0x3FB5];
	_ =	sdelay $0x3  }
0x34: {  	[smem:$0x3FB5] =	sst s10  }
0x35: {  	s10 =	sld [smem:$0x3FB4];
	_ =	sdelay $0x3  }
0x36: {  	p1 =	seq.s32 s10, $0x1;
	s10 =	sld [smem:$0x3FB5];
	_ =	sdelay $0x3  }
0x37: {  	[smem:$0x3FB5] =	sst s10  }
0x38: {  	s10 =	sld [smem:$0x3FB6]  }
0x39: {  	_ = 	snop;
	(pc) =	sbr.ind lr, $3  }
0x3a: {  	_ = 	snop  }
0x3b: {  	_ = 	snop  }
0x3c: {  	p2 =	seq.s32 s10, $0x1;
	s10 =	sld [smem:$0x3FB5]  }
0x3d: {  	_ =	shalt  }
0x3e: {  	_ =	shalt  }
0x3f: {  	_ =	shalt  }
0x40: {  	_ =	shalt  }
0x41: {  	_ =	shalt  }
0x42: {  	_ =	shalt  }
0x43: {  	_ =	shalt  }
0x44: {  	_ =	shalt  }
0x45: {  	_ =	shalt  }
0x46: {  	_ =	shalt  }
0x47: {  	_ =	shalt  }
0x48: {  	_ =	shalt  }
0x49: {  	_ =	shalt  }
0x4a: {  	_ =	shalt  }
0x4b: {  	_ =	shalt  }
0x4c: {  	_ =	shalt  }
0x4d: {  	_ =	shalt  }
0x4e: {  	_ =	shalt  }
0x4f: {  	_ =	shalt  }
0x50: {  	_ =	shalt  }
0x51: {  	_ =	shalt  }
0x52: {  	_ =	shalt  }
0x53: {  	_ =	shalt  }
0x54: {  	_ =	shalt  }
0x55: {  	_ =	shalt  }
0x56: {  	_ =	shalt  }
0x57: {  	_ =	shalt  }
0x58: {  	_ =	shalt  }
0x59: {  	_ =	shalt  }
0x5a: {  	_ =	shalt  }
0x5b: {  	_ =	shalt  }
0x5c: {  	_ =	shalt  }
0x5d: {  	_ =	shalt  }
0x5e: {  	_ =	shalt  }
0x5f: {  	_ =	shalt  }
0x60: {  	_ =	shalt  }
0x61: {  	_ =	shalt  }
0x62: {  	_ =	shalt  }
0x63: {  	_ =	shalt  }
0x64: {  	_ =	shalt  }
0x65: {  	_ =	shalt  }
0x66: {  	_ =	shalt  }
0x67: {  	_ =	shalt  }
0x68: {  	_ =	shalt  }
0x69: {  	_ =	shalt  }
0x6a: {  	_ =	shalt  }
0x6b: {  	_ =	shalt  }
0x6c: {  	_ =	shalt  }
0x6d: {  	_ =	shalt  }
0x6e: {  	_ =	shalt  }
0x6f: {  	_ =	shalt  }
0x70: {  	_ =	shalt  }
0x71: {  	_ =	shalt  }
0x72: {  	_ =	shalt  }
0x73: {  	_ =	shalt  }
0x74: {  	_ =	shalt  }
0x75: {  	_ =	shalt  }
0x76: {  	_ =	shalt  }
0x77: {  	_ =	shalt  }
0x78: {  	_ =	shalt  }
0x79: {  	_ =	shalt  }
0x7a: {  	_ =	shalt  }
0x7b: {  	_ =	shalt  }
0x7c: {  	_ =	shalt  }
0x7d: {  	_ =	shalt  }
0x7e: {  	_ =	shalt  }
0x7f: {  	_ =	shalt  }
0x80: {  	_ =	shalt  }
0x81: {  	_ =	shalt  }
0x82: {  	_ =	shalt  }
0x83: {  	_ =	shalt  }
0x84: {  	_ =	shalt  }
0x85: {  	_ =	shalt  }
0x86: {  	_ =	shalt  }
0x87: {  	_ =	shalt  }
.Lfunc_end0:
.L_simem_size_0:
called_computation_lowered:
.L_overlay_start_0:
0x88: {  	s2 =	sld [smem:$0x3FD9]  }
0x89: {  	s3 =	sld [smem:$0x3FFE];
	_ =	sdelay $0x1  }
0x8a: {  	s1 =	srdreg.scid  }
0x8b: {  	s0 =	sand.u32 $0x1, s1  }
0x8c: {  	s17 =	sshll.u32 s0, $0xA;
	s2 =	sadd.s32 s3, s2  }
0x8d: {  	s2 =	sadd.s32 s2, s17  }
0x8e: {  	[smem:$0x3FC1] =	sst s2  }
0x8f: {  	_ = 	snop  }
0x90: {  	s2 =	sld [smem:$0x3FC9]  }
0x91: {  	s18 =	sld [smem:$0x3FC8]  }
0x92: {  	s4 =	sld [smem:$0x3FC7]  }
0x93: {  	s5 =	sld [smem:$0x3FC4]  }
0x94: {  	s6 =	sld [smem:$0x3FC3]  }
0x95: {  	s7 =	sld [smem:$0x3FD0];
	(tm) =	ssettm $0x1  }
0x96: {  	s8 =	sld [smem:$0x3FFB];
	_ =	sdelay $0x3  }
0x97: {  	_ =	strace s8  }
0x98: {  	s8 =	sld [smem:$0x3FFC];
	_ =	sdelay $0x3  }
0x99: {  	_ =	strace s8  }
0x9a: {  	s8 =	sld [smem:$0x3FFD];
	_ =	sdelay $0x3  }
0x9b: {  	_ =	strace s8  }
0x9c: {  	_ =	strace $0x8FFFFFFF  }
0x9d: {  	s19 =	sld [smem:$0x3FDB];
	_ =	sdelay $0x1  }
0x9e: {  	s9 =	simm.s32 $_scs_section_size  }
0x9f: {  	s10 =	simm.s32 $_size__tile_overlayer_lowered;
	s11 =	simm.s32 $_tile_overlayer_lowered  }
0xa0: {  	s22 =	simm.s32 $0x1BFF;
	s21 =	sshll.u32 s11, $0x1;
	s8 =	sadd.s32 s9, s19  }
0xa1: {  	s12 =	simm.s32 $0x0;
	s20 =	sshll.u32 s10, $0x1;
	s10 =	sadd.s32 s21, s8  }
0xa2: {  	[timem:s12], [sflag:s22] =	dma.local [hbm:s10], s20  }
0xa3: {  	_ =	swait.ge [sflag:s22], s20  }
0xa4: {  	s9 =	ssub.s32 $0x0, s20;
	[sflag:s22] =	ssyncset.done $0x0  }
0xa5: {  	[sflag:s22] =	ssyncadd.s32 s9;
	_ =	sdelay $0x1  }
0xa6: {  	s23 =	simm.s32 $0x1B8B  }
0xa7: {  	_ =	swait.ge [sflag:s23], $0x1  }
0xa8: {  	[sflag:s23] =	ssyncset.done $0x0  }
0xa9: {  	s25 =	simm.s32 $0x1B8E;
	s24 =	sld [smem:$0x3FFE];
	[sflag:s23] =	ssyncadd.s32 $0xFFFFFFFF  }
0xaa: {  	s26 =	simm.s32 $execute0_lowered;
	[smem:$0x3FD2] =	sst s25  }
0xab: {  	s10 =	sshll.u32 s26, $0x1;
	_ =	strace $0x80000046;
	[dreg:$0x1] =	wrdreg $0xFFFFFFFF  }
0xac: {  	s28 =	simm.s32 $_size_execute0_lowered;
	s8 =	sadd.s32 s8, s10;
	[dreg:$0x0] =	wrdreg $0x0  }
0xad: {  	s10 =	sshll.u32 s28, $0x1;
	[dreg:$0x2] =	wrdreg s8  }
0xae: {  	[dreg:$0x3] =	wrdreg s10  }
0xaf: {  	[dreg:$0x4] =	wrdreg $0xC0  }
0xb0: {  	_ =	task [dreg:s12], $0x5FFFF  }
0xb1: {  	[dreg:$0x1] =	wrdreg $0xFFFFFFFF  }
0xb2: {  	[dreg:$0x0] =	wrdreg $0x60  }
0xb3: {  	[dreg:$0x2] =	wrdreg s2  }
0xb4: {  	[dreg:$0x3] =	wrdreg s18  }
0xb5: {  	[dreg:$0x4] =	wrdreg s4  }
0xb6: {  	[dreg:$0x5] =	wrdreg s24  }
0xb7: {  	[dreg:$0x6] =	wrdreg s5  }
0xb8: {  	[dreg:$0x7] =	wrdreg s6  }
0xb9: {  	[dreg:$0x8] =	wrdreg s7  }
0xba: {  	[dreg:$0x9] =	wrdreg $0x9  }
0xbb: {  	_ =	task.clear_ibuf [dreg:s12], $0xAFFFF;
	_ =	strace $0x90000046  }
0xbc: {  	s29 =	simm.s32 $0x9;
	_ =	strace $0x80000048  }
0xbd: {  	_ =	swait.ge [sflag:s29], $0x1  }
0xbe: {  	[sflag:s29] =	ssyncadd.s32 $0xFFFFFFFF  }
0xbf: {  	_ =	strace $0x90000048  }
0xc0: {  	_ =	sfence  }
0xc1: {  	s30 =	sld [smem:$0x0];
	_ =	sdelay $0x2  }
0xc2: {  	s31 =	sshll.u32 s1, $0xD;
	s1 =	sshrl.u32 s1, $0x2  }
0xc3: {  	s3 =	sand.u32 $0x4000, s31;
	s1 =	sadd.s32 s1, s30  }
0xc4: {  	s0 =	sor.u32 s3, s0;
	s1 =	sshll.u32 s1, $0x11  }
0xc5: {  	s0 =	sor.u32 s1, s0  }
0xc6: {  	s0 =	sadd.s32 $0x8F2B, s0  }
0xc7: {  	[sflag:s0] =	ssyncadd.remote.s32 $0x1  }
0xc8: {  	_ =	sfence.sel $0xFFFF  }
0xc9: {  	[dreg:$0x0] =	wrdreg $0xFFFFFFFF;
	(pc) =	sbr.abs _section_cstart, $3  }
0xca: {  	[dreg:$0x1] =	wrdreg $0xFFFFFFFF  }
0xcb: {  	_ =	task.clear_ibuf [dreg:s12], $0x2FFFF;
	_ =	strace $0x9FFFFFFF  }
0xcc: {  	(tm) =	ssettm $0x7FFFFFFF  }
0xcd: {  	_ =	shalt  }
tec
execute0_lowered:
.L_overlay_start_1:
0x0: {  	(tag) =	ssettag $0x1  }
0x1: {  	s0 =	rddreg [dreg:$0x0]  }
0x2: {  	s2 =	rddreg [dreg:$0x1];
	v0 =	vimm.s32 $0xFEDCBA98;
	v1 =	vimm.s32 $0x76543210  }
0x3: {  	s4 =	rddreg [dreg:$0x2];
	v2 =	vimm.s32 $0xBA98FEDC;
	v3 =	vimm.s32 $0x32107654;
	v4 =	vimm.s32 $0xDCFE98BA  }
0x4: {  	s6 =	rddreg [dreg:$0x3];
	v5 =	vimm.s32 $0x54761032;
	v6 =	vimm.s32 $0xEFCDAB89;
	v7 =	vimm.s32 $0x67452301  }
0x5: {  	s1 =	rddreg [dreg:$0x4];
	vm0 =	vmmov $0x1;
	vm1 =	vmmov $0x3;
	vm2 =	vmmov $0x7  }
0x6: {  	s10 =	rddreg [dreg:$0x6];
	s3 =	simm.s32 $0x0;
	s7 =	srdreg.scid;
	vm3 =	vmmov $0xf;
	vm4 =	vmmov $0x1f;
	vm5 =	vmmov $0x3f  }
0x7: {  	s9 =	stileid.u32;
	s13 =	simm.s32 $0x200;
	s14 =	simm.s32 $0x400;
	vm6 =	vmmov $0x7f;
	vm7 =	vmmov $0xff;
	vm8 =	vmmov $0x1ff  }
0x8: {  	s16 =	simm.s32 $0x80;
	s28 =	simm.s32 $0x100;
	s15 =	simm.s32 $0x180;
	vm9 =	vmmov $0x3ff;
	vm10 =	vmmov $0x7ff;
	vm11 =	vmmov $0xfff  }
0x9: {  	s17 =	simm.s32 $0x6600;
	s18 =	simm.s32 $0x380;
	s19 =	simm.s32 $0xE600;
	v0 =	vunpack.c.l.s4.s8 v0;
	v1 =	vunpack.c.l.s4.s8 v1;
	v2 =	vunpack.c.l.s4.s8 v2  }
0xa: {  	s20 =	simm.s32 $0x10780;
	s21 =	simm.s32 $0x580;
	s22 =	simm.s32 $0x10980;
	v3 =	vunpack.c.l.s4.s8 v3;
	v4 =	vunpack.c.l.s4.s8 v4;
	v5 =	vunpack.c.l.s4.s8 v5  }
0xb: {  	s23 =	simm.s32 $0x1;
	s24 =	simm.s32 $0x10A00;
	s25 =	simm.s32 $0x0;
	v6 =	vunpack.c.l.s4.s8 v6;
	v7 =	vunpack.c.l.s4.s8 v7;
	v0 =	vunpack.c.0.s8.s32 v0  }
0xc: {  	[smem:$0x7FF] =	sst s3;
	s5 =	sadd.s32 $0xF42800, s6;
	s7 =	sand.u32 $0x1, s7;
	v2 =	vunpack.c.0.s8.s32 v2;
	v3 =	vunpack.c.0.s8.s32 v3;
	v4 =	vunpack.c.0.s8.s32 v4  }
0xd: {  	s9 =	sshll.u32 s9, $0x7;
	s8 =	ssub.s32 $0x2, s7;
	s7 =	sshll.u32 s7, $0x6;
	v5 =	vunpack.c.0.s8.s32 v5;
	v6 =	vunpack.c.0.s8.s32 v6;
	v7 =	vunpack.c.0.s8.s32 v7  }
0xe: {  	vm12 =	vmmov $0x1fff;
	s6 =	sadd.s32 $0x16E3A00, s6;
	s11 =	sshrl.u32 s8, $0x1;
	s12 =	sor.u32 s7, s9;
	v1 =	vunpack.c.0.s8.s32 v1;
	v2 =	vcombine.low v3, v2  }
0xf: {  	_ =	strace $0x80000047;
	s11 =	ssub.s32 s8, s11;
	s7 =	sadd.s32 s0, s12;
	v3 =	vcombine.low v5, v4;
	v4 =	vcombine.low v7, v6;
	v0 =	vand.u32 $0xF, v0  }
0x10: {  	vm13 =	vmmov $0x3fff;
	vm14 =	vmmov $0x7fff;
	s8 =	sadd.s32 s2, s12;
	s9 =	sadd.s32 s4, s12;
	s10 =	sadd.s32 s10, s12;
	v0 =	vcombine.low v0, v1  }
0x11: {  	s12 =	simm.s32 $0x2;
	s2 =	simm.s32 $0x10900;
	s11 =	smax.u32 s11, $0x1;
	v1 =	vand.u32 $0xF, v2;
	v2 =	vand.u32 $0xF, v3;
	v3 =	vand.u32 $0xF, v4  }
.LBB2_1:
0x12: {  	[tilespmem:s3], [sflag:$0x2] =	stream.linear.gather [hbm4b:s7+s3], $0x200, $0x38;
	[tilespmem:$0x10C10] =	vst v63  }
0x13: {  	_ =	swait.ge [sflag:s12], $0x200  }
0x14: {  	[sflag:s12] =	ssyncset.done $0x0  }
0x15: {  	[sflag:s12] =	ssyncadd.s32 $0xFFFFFE00  }
0x16: {  	[tilespmem:s13], [sflag:$0x2] =	stream.linear.gather [hbm4b:s8+s3], $0x200, $0x38;
	[tilespmem:$0x10C10] =	vst v63  }
0x17: {  	_ =	swait.ge [sflag:s12], $0x200  }
0x18: {  	[sflag:s12] =	ssyncset.done $0x0  }
0x19: {  	[sflag:s12] =	ssyncadd.s32 $0xFFFFFE00  }
0x1a: {  	[tilespmem:s14], [sflag:$0x2] =	stream.linear.gather [hbm4b:s9+s3], $0x200, $0x38;
	[tilespmem:$0x10C10] =	vst v63  }
0x1b: {  	_ =	swait.ge [sflag:s12], $0x200  }
0x1c: {  	[sflag:s12] =	ssyncset.done $0x0  }
0x1d: {  	[sflag:s12] =	ssyncadd.s32 $0xFFFFFE00  }
0x1e: {  	s4 =	simm.s32 $0x10C00;
	s0 =	rddreg [dreg:$0x5]  }
0x1f: {  	[tilespmem:s4], [sflag:$0x2] =	stream.linear.gather [hbm4b:s0+s3], $0x10, $0x38;
	[tilespmem:$0x10C10] =	vst v63  }
0x20: {  	_ =	swait.ge [sflag:s12], $0x10  }
0x21: {  	[sflag:s12] =	ssyncset.done $0x0  }
0x22: {  	s26 =	simm.s32 $0x600;
	[sflag:s12] =	ssyncadd.s32 $0xFFFFFFF0  }
0x23: {  	[tilespmem:s26], [sflag:$0x1] =	stream.indirect.gather [hbm4b:s5+s16], $0x40, s3, s16, $0xb8;
	[tilespmem:$0x10C10] =	vst v63  }
0x24: {  	s4 =	simm.s32 $0x8600  }
0x25: {  	[tilespmem:s4], [sflag:$0x1] =	stream.indirect.gather [hbm4b:s6+s16], $0x40, s13, s16, $0xb8;
	[tilespmem:$0x10C10] =	vst v63  }
0x26: {  	s26 =	simm.s32 $0x10600  }
0x27: {  	[tilespmem:s26], [sflag:$0x1] =	stream.indirect.gather [hbm4b:s1+s16], $0x1, s3, s16, $0xb8;
	[tilespmem:$0x10C10] =	vst v63  }
0x28: {  	s4 =	simm.s32 $0x10800  }
0x29: {  	[tilespmem:s4], [sflag:$0x1] =	stream.indirect.gather [hbm4b:s1+s16], $0x1, s14, s16, $0xb8;
	[tilespmem:$0x10C10] =	vst v63  }
0x2a: {  	s26 =	simm.s32 $0x2600  }
0x2b: {  	[tilespmem:s26], [sflag:$0x1] =	stream.indirect.gather [hbm4b:s5+s16], $0x40, s16, s16, $0xb8;
	[tilespmem:$0x10C10] =	vst v63  }
0x2c: {  	s4 =	simm.s32 $0x280;
	s26 =	simm.s32 $0xA600  }
0x2d: {  	[tilespmem:s26], [sflag:$0x1] =	stream.indirect.gather [hbm4b:s6+s16], $0x40, s4, s16, $0xb8;
	[tilespmem:$0x10C10] =	vst v63  }
0x2e: {  	s26 =	simm.s32 $0x10680  }
0x2f: {  	[tilespmem:s26], [sflag:$0x1] =	stream.indirect.gather [hbm4b:s1+s16], $0x1, s16, s16, $0xb8;
	[tilespmem:$0x10C10] =	vst v63  }
0x30: {  	s4 =	simm.s32 $0x480;
	s26 =	simm.s32 $0x10880  }
0x31: {  	[tilespmem:s26], [sflag:$0x1] =	stream.indirect.gather [hbm4b:s1+s16], $0x1, s4, s16, $0xb8;
	[tilespmem:$0x10C10] =	vst v63  }
0x32: {  	s26 =	simm.s32 $0x4600  }
0x33: {  	[tilespmem:s26], [sflag:$0x1] =	stream.indirect.gather [hbm4b:s5+s16], $0x40, s28, s16, $0xb8;
	[tilespmem:$0x10C10] =	vst v63  }
0x34: {  	s4 =	simm.s32 $0x300;
	s26 =	simm.s32 $0xC600  }
0x35: {  	[tilespmem:s26], [sflag:$0x1] =	stream.indirect.gather [hbm4b:s6+s16], $0x40, s4, s16, $0xb8;
	[tilespmem:$0x10C10] =	vst v63  }
0x36: {  	s4 =	simm.s32 $0x10700  }
0x37: {  	[tilespmem:s4], [sflag:$0x1] =	stream.indirect.gather [hbm4b:s1+s16], $0x1, s28, s16, $0xb8;
	[tilespmem:$0x10C10] =	vst v63  }
0x38: {  	s26 =	simm.s32 $0x500  }
0x39: {  	[tilespmem:s2], [sflag:$0x1] =	stream.indirect.gather [hbm4b:s1+s16], $0x1, s26, s16, $0xb8;
	[tilespmem:$0x10C10] =	vst v63  }
0x3a: {  	_ = 	snop  }
0x3b: {  	[tilespmem:s17], [sflag:$0x1] =	stream.indirect.gather [hbm4b:s5+s16], $0x40, s15, s16, $0xb8;
	[tilespmem:$0x10C10] =	vst v63  }
0x3c: {  	_ = 	snop  }
0x3d: {  	[tilespmem:s19], [sflag:$0x1] =	stream.indirect.gather [hbm4b:s6+s16], $0x40, s18, s16, $0xb8;
	[tilespmem:$0x10C10] =	vst v63  }
0x3e: {  	_ = 	snop  }
0x3f: {  	[tilespmem:s20], [sflag:$0x1] =	stream.indirect.gather [hbm4b:s1+s16], $0x1, s15, s16, $0xb8;
	[tilespmem:$0x10C10] =	vst v63  }
0x40: {  	_ = 	snop  }
0x41: {  	[tilespmem:s22], [sflag:$0x1] =	stream.indirect.gather [hbm4b:s1+s16], $0x1, s21, s16, $0xb8;
	[tilespmem:$0x10C10] =	vst v63  }
0x42: {  	_ =	swait.ge [sflag:s23], $0x2000  }
0x43: {  	[sflag:s23] =	ssyncset.done $0x0  }
0x44: {  	[sflag:s23] =	ssyncadd.s32 $0xFFFFE000  }
0x45: {  	_ =	swait.ge [sflag:s23], $0x2000  }
0x46: {  	[sflag:s23] =	ssyncset.done $0x0  }
0x47: {  	[sflag:s23] =	ssyncadd.s32 $0xFFFFE000  }
0x48: {  	_ =	swait.ge [sflag:s23], $0x80  }
0x49: {  	[sflag:s23] =	ssyncset.done $0x0  }
0x4a: {  	[sflag:s23] =	ssyncadd.s32 $0xFFFFFF80  }
0x4b: {  	_ =	swait.ge [sflag:s23], $0x80  }
0x4c: {  	[sflag:s23] =	ssyncset.done $0x0  }
0x4d: {  	[sflag:s23] =	ssyncadd.s32 $0xFFFFFF80  }
0x4e: {  	_ =	swait.ge [sflag:s23], $0x2000  }
0x4f: {  	[sflag:s23] =	ssyncset.done $0x0  }
0x50: {  	[sflag:s23] =	ssyncadd.s32 $0xFFFFE000  }
0x51: {  	_ =	swait.ge [sflag:s23], $0x2000  }
0x52: {  	[sflag:s23] =	ssyncset.done $0x0  }
0x53: {  	[sflag:s23] =	ssyncadd.s32 $0xFFFFE000  }
0x54: {  	_ =	swait.ge [sflag:s23], $0x80  }
0x55: {  	[sflag:s23] =	ssyncset.done $0x0  }
0x56: {  	[sflag:s23] =	ssyncadd.s32 $0xFFFFFF80  }
0x57: {  	_ =	swait.ge [sflag:s23], $0x80  }
0x58: {  	[sflag:s23] =	ssyncset.done $0x0  }
0x59: {  	[sflag:s23] =	ssyncadd.s32 $0xFFFFFF80  }
0x5a: {  	_ =	swait.ge [sflag:s23], $0x2000  }
0x5b: {  	[sflag:s23] =	ssyncset.done $0x0  }
0x5c: {  	[sflag:s23] =	ssyncadd.s32 $0xFFFFE000  }
0x5d: {  	_ =	swait.ge [sflag:s23], $0x2000  }
0x5e: {  	[sflag:s23] =	ssyncset.done $0x0  }
0x5f: {  	[sflag:s23] =	ssyncadd.s32 $0xFFFFE000  }
0x60: {  	_ =	swait.ge [sflag:s23], $0x80  }
0x61: {  	[sflag:s23] =	ssyncset.done $0x0  }
0x62: {  	[sflag:s23] =	ssyncadd.s32 $0xFFFFFF80  }
0x63: {  	_ =	swait.ge [sflag:s23], $0x80  }
0x64: {  	[sflag:s23] =	ssyncset.done $0x0  }
0x65: {  	[sflag:s23] =	ssyncadd.s32 $0xFFFFFF80  }
0x66: {  	_ =	swait.ge [sflag:s23], $0x2000  }
0x67: {  	[sflag:s23] =	ssyncset.done $0x0  }
0x68: {  	[sflag:s23] =	ssyncadd.s32 $0xFFFFE000  }
0x69: {  	_ =	swait.ge [sflag:s23], $0x2000  }
0x6a: {  	[sflag:s23] =	ssyncset.done $0x0  }
0x6b: {  	[sflag:s23] =	ssyncadd.s32 $0xFFFFE000  }
0x6c: {  	_ =	swait.ge [sflag:s23], $0x80  }
0x6d: {  	[sflag:s23] =	ssyncset.done $0x0  }
0x6e: {  	[sflag:s23] =	ssyncadd.s32 $0xFFFFFF80  }
0x6f: {  	_ =	swait.ge [sflag:s23], $0x80  }
0x70: {  	[sflag:s23] =	ssyncset.done $0x0  }
0x71: {  	s26 =	simm.s32 $0x800;
	[sflag:s23] =	ssyncadd.s32 $0xFFFFFF80  }
0x72: {  	s29 =	simm.s32 $0x8800;
	v15 =	vld [tilespmem:s26+$0x1D0]  }
0x73: {  	v17 =	vld [tilespmem:s29+$0x1D0]  }
0x74: {  	v4 =	vld [tilespmem:s29+$0x1B0]  }
0x75: {  	v6 =	vld [tilespmem:s26+$0x1B0]  }
0x76: {  	v27 =	vld [tilespmem:s29+$0x1A0]  }
0x77: {  	v32 =	vld [tilespmem:s26+$0x1A0]  }
0x78: {  	v33 =	vld [tilespmem:s29+$0x190]  }
0x79: {  	v34 =	vld [tilespmem:s26+$0x190]  }
0x7a: {  	v35 =	vld [tilespmem:s29+$0x180]  }
0x7b: {  	v36 =	vld [tilespmem:s26+$0x180]  }
0x7c: {  	v7 =	vld [tilespmem:s29+$0x160]  }
0x7d: {  	v8 =	vld [tilespmem:s29+$0x150]  }
0x7e: {  	v37 =	vld [tilespmem:s29+$0x110]  }
0x7f: {  	v38 =	vld [tilespmem:s26+$0x110]  }
0x80: {  	v20 =	vld [tilespmem:s29+$0xE0]  }
0x81: {  	v23 =	vld [tilespmem:s26+$0xE0]  }
0x82: {  	v10 =	vld [tilespmem:s26+$0xA0]  }
0x83: {  	v9 =	vld [tilespmem:s26+$0xD0]  }
0x84: {  	v11 =	vld [tilespmem:s29+$0xC0]  }
0x85: {  	v21 =	vld [tilespmem:s29+$0xFFFFFFF0]  }
0x86: {  	v24 =	vld [tilespmem:s26+$0xFFFFFFF0]  }
0x87: {  	v18 =	vld [tilespmem:s29+$0x90]  }
0x88: {  	v22 =	vld [tilespmem:s29+$0xFFFFFE40]  }
0x89: {  	v25 =	vld [tilespmem:s26+$0xFFFFFE40]  }
0x8a: {  	v39 =	vld [tilespmem:s29+$0x70]  }
0x8b: {  	v40 =	vld [tilespmem:s26+$0x70]  }
0x8c: {  	v41 =	vld [tilespmem:s29+$0x60]  }
0x8d: {  	v42 =	vld [tilespmem:s26+$0x60]  }
0x8e: {  	v26 =	vld [tilespmem:s26+$0x90]  }
0x8f: {  	v12 =	vld [tilespmem:s29+$0x80]  }
0x90: {  	v43 =	vld [tilespmem:s26+$0x50]  }
0x91: {  	v44 =	vld [tilespmem:s29+$0x50]  }
0x92: {  	v45 =	vld [tilespmem:s29+$0x40]  }
0x93: {  	v46 =	vld [tilespmem:s26+$0x40]  }
0x94: {  	v13 =	vld [tilespmem:s29+$0x20]  }
0x95: {  	v30 =	vld [tilespmem:s29+$0xFFFFFE10]  }
0x96: {  	v31 =	vld [tilespmem:s26+$0xFFFFFE10]  }
0x97: {  	v28 =	vld [tilespmem:s29+$0x10]  }
0x98: {  	v29 =	vld [tilespmem:s26+$0x10]  }
0x99: {  	v14 =	vld [tilespmem:s29+$0x0]  }
0x9a: {  	v47 =	vld [tilespmem:s29+$0xFFFFFFD0]  }
0x9b: {  	v48 =	vld [tilespmem:s26+$0xFFFFFFD0]  }
0x9c: {  	v16 =	vld [tilespmem:s29+$0xFFFFFFC0]  }
0x9d: {  	v49 =	vld [tilespmem:s26+$0xFFFFFEF0]  }
0x9e: {  	v50 =	vld [tilespmem:s29+$0xFFFFFFB0]  }
0x9f: {  	v51 =	vld [tilespmem:s26+$0xFFFFFFB0]  }
0xa0: {  	v52 =	vld [tilespmem:s29+$0xFFFFFFA0]  }
0xa1: {  	v53 =	vld [tilespmem:s26+$0xFFFFFFA0]  }
0xa2: {  	v54 =	vld [tilespmem:s29+$0xFFFFFF90]  }
0xa3: {  	v55 =	vld [tilespmem:s26+$0xFFFFFF90]  }
0xa4: {  	v56 =	vld [tilespmem:s29+$0xFFFFFF80]  }
0xa5: {  	v57 =	vld [tilespmem:s26+$0xFFFFFF80]  }
0xa6: {  	v19 =	vld [tilespmem:s29+$0xFFFFFEB0]  }
0xa7: {  	v58 =	vld [tilespmem:s29+$0xFFFFFF70]  }
0xa8: {  	v59 =	vld [tilespmem:s26+$0xFFFFFF70]  }
0xa9: {  	v60 =	vld [tilespmem:s29+$0xFFFFFF60]  }
0xaa: {  	v61 =	vld [tilespmem:s26+$0xFFFFFF60]  }
0xab: {  	v62 =	vld [tilespmem:s29+$0xFFFFFF50]  }
0xac: {  	v63 =	vmul.f32 v35, v36;
	v35 =	vld [tilespmem:s26+$0xFFFFFF50]  }
0xad: {  	v36 =	vld [tilespmem:s29+$0xFFFFFF40]  }
0xae: {  	v33 =	vmul.f32 v33, v34;
	v34 =	vmul.f32 v44, v43;
	v44 =	vld [tilespmem:s26+$0xFFFFFF30]  }
0xaf: {  	v41 =	vmul.f32 v41, v42;
	v42 =	vld [tilespmem:s26+$0xFFFFFF20]  }
0xb0: {  	v43 =	vld [tilespmem:s26+$0xFFFFFEA0]  }
0xb1: {  	v27 =	vmul.f32 v27, v32;
	v32 =	vadd.f32 v33, v63;
	v33 =	vld [tilespmem:s26+$0xFFFFFF40]  }
0xb2: {  	v63 =	vmul.f32 v45, v46;
	v45 =	vld [tilespmem:s29+$0xFFFFFF10]  }
0xb3: {  	v46 =	vld [tilespmem:s26+$0xFFFFFEE0]  }
0xb4: {  	v4 =	vmul.f32 v4, v6;
	v6 =	vadd.f32 v27, v32;
	v27 =	vld [tilespmem:s29+$0xFFFFFF20]  }
0xb5: {  	v34 =	vadd.f32 v34, v63;
	v32 =	vld [tilespmem:s29+$0xFFFFFE30];
	v63 =	vmul.f32 v54, v55  }
0xb6: {  	v54 =	vmul.f32 v56, v57;
	v56 =	vmul.f32 v52, v53;
	v53 =	vld [tilespmem:s29+$0xFFFFFEF0]  }
0xb7: {  	v52 =	vld [tilespmem:s26+$0xFFFFFE20]  }
0xb8: {  	v35 =	vmul.f32 v62, v35;
	v62 =	vmul.f32 v50, v51;
	v50 =	vld [tilespmem:s29+$0xFFFFFE70]  }
0xb9: {  	v20 =	vmul.f32 v20, v23;
	v51 =	vld [tilespmem:s29+$0xFFFFFED0]  }
0xba: {  	v15 =	vmul.f32 v17, v15;
	v4 =	vadd.f32 v4, v6;
	v6 =	vmul.f32 v39, v40;
	v39 =	vld [tilespmem:s29+$0xFFFFFF30]  }
0xbb: {  	v21 =	vmul.f32 v21, v24;
	v22 =	vmul.f32 v22, v25;
	v34 =	vadd.f32 v41, v34;
	v41 =	vld [tilespmem:s26+$0xFFFFFF10]  }
0xbc: {  	v25 =	vmul.f32 v18, v26;
	v40 =	vadd.f32 v63, v54;
	v63 =	vld [tilespmem:s26+$0xFFFFFF00];
	v33 =	vmul.f32 v36, v33  }
0xbd: {  	v54 =	vmul.f32 v60, v61;
	v36 =	vld [tilespmem:s29+$0xFFFFFF00];
	v55 =	vperm.xlane v4, v0;
	v6 =	vadd.f32 v6, v34  }
0xbe: {  	v34 =	vadd.f32 v56, v40;
	v56 =	vmul.f32 v58, v59;
	v33 =	vadd.f32 v35, v33;
	v35 =	vld [tilespmem:s29+$0xFFFFFEA0]  }
0xbf: {  	v27 =	vmul.f32 v27, v42;
	v42 =	vld [tilespmem:s29+$0xFFFFFEC0];
	v4 =	vadd.f32 v4, v55;
	v57 =	vperm.xlane v6, v0  }
0xc0: {  	v34 =	vadd.f32 v62, v34;
	v33 =	vadd.f32 v54, v33;
	v41 =	vmul.f32 v45, v41;
	v45 =	vld [tilespmem:s29+$0xFFFFFEE0]  }
0xc1: {  	v39 =	vmul.f32 v39, v44;
	v44 =	vld [tilespmem:s26+$0xFFFFFE60];
	v55 =	vperm.xlane v4, v1;
	v6 =	vadd.f32 v6, v57  }
0xc2: {  	v54 =	vld [tilespmem:s26+$0xFFFFFE70];
	v58 =	vperm.xlane v34, v0;
	v36 =	vmul.f32 v36, v63  }
0xc3: {  	v63 =	vld [tilespmem:s26+$0xFFFFFED0];
	v33 =	vadd.f32 v56, v33;
	v4 =	vadd.f32 v4, v55;
	v57 =	vperm.xlane v6, v1  }
0xc4: {  	v28 =	vmul.f32 v28, v29;
	v34 =	vadd.f32 v34, v58;
	v36 =	vadd.f32 v41, v36;
	v41 =	vld [tilespmem:s29+$0xFFFFFE20]  }
0xc5: {  	v60 =	vperm.xlane v33, v0;
	v59 =	vperm.xlane v4, v2;
	v6 =	vadd.f32 v6, v57;
	v57 =	vld [tilespmem:s26+$0xFFFFFEC0]  }
0xc6: {  	v62 =	vperm.xlane v34, v1;
	v36 =	vadd.f32 v27, v36;
	v45 =	vmul.f32 v45, v46;
	v46 =	vld [tilespmem:s29+$0xFFFFFE60]  }
0xc7: {  	v27 =	vmul.f32 v37, v38;
	v33 =	vadd.f32 v33, v60;
	v60 =	vld [tilespmem:s26+$0xFFFFFE90];
	v61 =	vperm.xlane v6, v2  }
0xc8: {  	v34 =	vadd.f32 v34, v62;
	v36 =	vadd.f32 v39, v36;
	v39 =	vmul.f32 v47, v48;
	v47 =	vld [tilespmem:s29+$0xFFFFFE90]  }
0xc9: {  	v4 =	vadd.f32 v4, v59;
	v62 =	vmul.f32 v51, v63;
	v51 =	vld [tilespmem:s26+$0xFFFFFE00];
	v58 =	vperm.xlane v33, v1  }
0xca: {  	v6 =	vadd.f32 v6, v61;
	v59 =	vperm.xlane v34, v2;
	v38 =	vmul.f32 v42, v57;
	v42 =	vld [tilespmem:s29+$0xFFFFFE80]  }
0xcb: {  	v61 =	vperm.xlane v36, v0;
	v33 =	vadd.f32 v33, v58;
	v58 =	vmul.f32 v53, v49;
	v49 =	vld [tilespmem:s26+$0x80]  }
0xcc: {  	v35 =	vmul.f32 v35, v43;
	v24 =	vmul.f32 v41, v52;
	v34 =	vadd.f32 v34, v59;
	v59 =	vld [tilespmem:s29+$0xFFFFFE50]  }
0xcd: {  	v37 =	vperm.xlane v4, v3;
	v53 =	vmul.f32 v30, v31;
	v36 =	vadd.f32 v36, v61;
	v61 =	vld [tilespmem:s26+$0xFFFFFE50]  }
0xce: {  	v63 =	vperm.xlane v33, v2;
	v38 =	vadd.f32 v62, v38;
	v40 =	vmul.f32 v47, v60;
	v62 =	vld [tilespmem:s29+$0xFFFFFE00]  }
0xcf: {  	v4 =	vadd.f32 v4, v37;
	v47 =	vld [tilespmem:s29+$0xFFFFFFE0];
	v56 =	vperm.xlane v34, v3;
	v57 =	vperm.xlane v36, v1  }
0xd0: {  	v30 =	vmul.f32 v50, v54;
	v33 =	vadd.f32 v33, v63;
	v38 =	vadd.f32 v45, v38;
	v63 =	vld [tilespmem:s26+$0xFFFFFE80]  }
0xd1: {  	v48 =	vperm.xlane v6, v3;
	v36 =	vadd.f32 v36, v57;
	v17 =	vadd.f32 v34, v56;
	v56 =	vld [tilespmem:s26+$0xFFFFFE30]  }
0xd2: {  	v12 =	vmul.f32 v12, v49;
	v37 =	vadd.f32 v58, v38;
	v57 =	vmul.f32 v59, v61;
	v59 =	vld [tilespmem:s26+$0xFFFFFEB0]  }
0xd3: {  	v6 =	vadd.f32 v6, v48;
	v60 =	vperm.xlane v33, v3;
	v61 =	vld [tilespmem:s26+$0xFFFFFFC0];
	v48 =	vperm.xlane v36, v2  }
0xd4: {  	v58 =	vmul.f32 v62, v51;
	v51 =	vld [tilespmem:s29+$0x30];
	v12 =	vadd.f32 v25, v12;
	v55 =	vperm.xlane v37, v0  }
0xd5: {  	v18 =	vadd.f32 v33, v60;
	v22 =	vadd.f32 v57, v22;
	v60 =	vmul.f32 v46, v44;
	v44 =	vld [tilespmem:s26+$0xFFFFFFE0]  }
0xd6: {  	v46 =	vld [tilespmem:s26+$0x20];
	v34 =	vadd.f32 v36, v48;
	v23 =	vmul.f32 v42, v63;
	v26 =	vadd.f32 v53, v58  }
0xd7: {  	v57 =	vld [tilespmem:s29+$0xA0];
	v31 =	vadd.f32 v37, v55;
	v22 =	vadd.f32 v60, v22;
	v45 =	vmul.f32 v32, v56  }
0xd8: {  	v63 =	vld [tilespmem:s26+$0x0];
	v37 =	vperm.xlane v34, v3;
	v23 =	vadd.f32 v40, v23;
	v24 =	vadd.f32 v24, v26  }
0xd9: {  	v53 =	vld [tilespmem:s26+$0x30];
	v19 =	vmul.f32 v19, v59;
	v16 =	vmul.f32 v16, v61;
	v22 =	vadd.f32 v30, v22  }
0xda: {  	v55 =	vld [tilespmem:s26+$0xC0];
	v62 =	vperm.xlane v31, v1;
	v23 =	vadd.f32 v35, v23;
	v24 =	vadd.f32 v45, v24  }
0xdb: {  	v59 =	vld [tilespmem:s29+$0xD0];
	v16 =	vadd.f32 v39, v16;
	v13 =	vmul.f32 v13, v46;
	v30 =	vmul.f32 v47, v44  }
0xdc: {  	v40 =	vld [tilespmem:s26+$0x150];
	v10 =	vmul.f32 v57, v10;
	v29 =	vadd.f32 v31, v62;
	v50 =	vperm.xlane v22, v0  }
0xdd: {  	v61 =	vld [tilespmem:s29+$0x100];
	v14 =	vmul.f32 v14, v63;
	v63 =	vadd.f32 v34, v37;
	v19 =	vadd.f32 v19, v23  }
0xde: {  	v39 =	vld [tilespmem:s26+$0x100];
	v52 =	vperm.xlane v24, v0;
	v16 =	vadd.f32 v30, v16;
	v23 =	vmul.f32 v51, v53  }
0xdf: {  	v42 =	vld [tilespmem:s26+$0x140];
	v11 =	vmul.f32 v11, v55;
	v10 =	vadd.f32 v10, v12;
	v48 =	vperm.xlane v29, v2  }
0xe0: {  	v46 =	vld [tilespmem:s29+$0x120];
	v22 =	vadd.f32 v22, v50;
	v14 =	vadd.f32 v28, v14;
	v9 =	vmul.f32 v59, v9  }
0xe1: {  	v12 =	vld [tilespmem:s29+$0x140];
	v8 =	vmul.f32 v8, v40;
	v54 =	vperm.xlane v19, v0;
	v24 =	vadd.f32 v24, v52  }
0xe2: {  	v37 =	vld [tilespmem:s26+$0xB0];
	v16 =	vadd.f32 v21, v16;
	v26 =	vadd.f32 v29, v48;
	v58 =	vperm.xlane v22, v1  }
0xe3: {  	v50 =	vld [tilespmem:s26+$0x160];
	v13 =	vadd.f32 v13, v14;
	v25 =	vmul.f32 v61, v39;
	v9 =	vadd.f32 v9, v11  }
0xe4: {  	v14 =	vld [tilespmem:s29+$0xB0];
	v19 =	vadd.f32 v19, v54;
	v60 =	vperm.xlane v24, v1;
	v45 =	vperm.xlane v16, v0  }
0xe5: {  	v53 =	vld [tilespmem:s29+$0xF0];
	v56 =	vperm.xlane v26, v3;
	v22 =	vadd.f32 v22, v58;
	v13 =	vadd.f32 v23, v13  }
0xe6: {  	v48 =	vld [tilespmem:s26+$0x120];
	v25 =	vadd.f32 v27, v25;
	v9 =	vadd.f32 v20, v9;
	v12 =	vmul.f32 v12, v42  }
0xe7: {  	v11 =	vld [tilespmem:s26+$0xF0];
	v62 =	vperm.xlane v19, v1;
	v24 =	vadd.f32 v24, v60;
	v16 =	vadd.f32 v16, v45  }
0xe8: {  	v7 =	vmul.f32 v7, v50;
	v26 =	vadd.f32 v26, v56;
	v44 =	vperm.xlane v22, v2  }
0xe9: {  	v47 =	vperm.xlane v13, v0;
	v8 =	vadd.f32 v8, v12;
	v14 =	vmul.f32 v14, v37  }
0xea: {  	v5 =	vld [tilespmem:s29+$0x170];
	v19 =	vadd.f32 v19, v62;
	v43 =	vperm.xlane v24, v2;
	v52 =	vperm.xlane v16, v1  }
0xeb: {  	v55 =	vmul.f32 v46, v48;
	v22 =	vadd.f32 v22, v44;
	v10 =	vadd.f32 v14, v10;
	v14 =	vld [tilespmem:s26+$0x170]  }
0xec: {  	v11 =	vmul.f32 v53, v11;
	v7 =	vadd.f32 v7, v8;
	v13 =	vadd.f32 v13, v47  }
0xed: {  	v41 =	vperm.xlane v19, v2;
	v23 =	vadd.f32 v24, v43;
	v16 =	vadd.f32 v16, v52  }
0xee: {  	v57 =	vadd.f32 v55, v25;
	v9 =	vadd.f32 v11, v9;
	v54 =	vperm.xlane v10, v0  }
0xef: {  	v56 =	vld [tilespmem:s26+$0x1C0];
	v59 =	vperm.xlane v22, v3;
	v24 =	vperm.xlane v13, v1;
	v19 =	vadd.f32 v19, v41  }
0xf0: {  	v8 =	vld [tilespmem:s29+$0x1C0];
	v51 =	vperm.xlane v23, v3;
	v10 =	vadd.f32 v10, v54;
	v5 =	vmul.f32 v5, v14  }
0xf1: {  	v58 =	vld [tilespmem:s29+$0x130];
	v12 =	vperm.xlane v16, v2;
	v13 =	vadd.f32 v13, v24;
	v49 =	vperm.xlane v19, v3  }
0xf2: {  	v23 =	vadd.f32 v23, v51;
	v14 =	vld [tilespmem:s26+$0x130];
	v60 =	vperm.xlane v10, v1;
	v5 =	vadd.f32 v5, v7  }
0xf3: {  	v11 =	vld [tilespmem:s26+$0x1E0];
	v62 =	vperm.xlane v9, v0;
	v12 =	vadd.f32 v16, v12;
	v16 =	vadd.f32 v22, v59  }
0xf4: {  	v19 =	vadd.f32 v19, v49;
	v7 =	vld [tilespmem:s29+$0x1E0];
	v20 =	vadd.f32 v10, v60;
	v10 =	vperm.xlane v5, v0  }
0xf5: {  	v8 =	vmul.f32 v8, v56;
	v9 =	vadd.f32 v9, v62;
	v16 =	vsel vm0, v23, v16  }
0xf6: {  	v61 =	vperm.xlane v12, v3;
	v16 =	vsel vm1, v16, v19;
	v5 =	vadd.f32 v5, v10  }
0xf7: {  	v8 =	vadd.f32 v15, v8;
	v14 =	vmul.f32 v58, v14;
	v10 =	vsel vm2, v16, v26  }
0xf8: {  	v12 =	vadd.f32 v12, v61;
	v16 =	vld [tilespmem:s26+$0x1F0];
	v10 =	vsel vm3, v10, v63;
	v19 =	vperm.xlane v5, v1  }
0xf9: {  	v11 =	vmul.f32 v7, v11;
	v63 =	vld [tilespmem:s29+$0x1F0];
	v14 =	vadd.f32 v14, v57;
	v7 =	vsel vm4, v10, v18  }
0xfa: {  	v10 =	vperm.xlane v13, v2;
	v7 =	vsel vm5, v7, v17;
	v5 =	vadd.f32 v5, v19  }
0xfb: {  	v15 =	vperm.xlane v14, v0;
	v7 =	vsel vm6, v7, v12;
	v12 =	vperm.xlane v9, v1  }
0xfc: {  	v18 =	vadd.f32 v11, v8;
	v13 =	vadd.f32 v13, v10;
	v17 =	vperm.xlane v5, v2  }
0xfd: {  	v11 =	vperm.xlane v20, v2;
	v10 =	vadd.f32 v9, v12;
	v12 =	vadd.f32 v14, v15  }
0xfe: {  	v14 =	vperm.xlane v13, v3;
	v8 =	vadd.f32 v5, v17;
	v17 =	vmul.f32 v63, v16  }
0xff: {  	v9 =	vadd.f32 v20, v11;
	v15 =	vperm.xlane v10, v2;
	v16 =	vperm.xlane v12, v1  }
0x100: {  	s31 =	simm.s32 $0x40;
	s30 =	simm.s32 $0x0;
	v5 =	vld [tilespmem:$0x10C00];
	v13 =	vadd.f32 v13, v14;
	v11 =	vperm.xlane v8, v3;
	v14 =	vadd.f32 v17, v18  }
.LBB2_2:
0x101: {  	p0 =	sne.s32 s31, $0x7C0;
	v17 =	vperm.xlane v9, v3;
	v10 =	vadd.f32 v10, v15;
	v12 =	vadd.f32 v12, v16;
	s26 =	sadd.s32 $0x400, s26;
	s29 =	sadd.s32 $0x400, s29  }
0x102: {  	s0 =	smov.u32 s31;
	s31 =	sadd.s32 $0x40, s31;
	v7 =	vsel vm7, v7, v13;
	v8 =	vadd.f32 v8, v11;
	v11 =	vperm.xlane v14, v0  }
0x103: {  	v6 =	vsel vm8, v7, v6;
	v7 =	vadd.f32 v9, v17;
	v9 =	vperm.xlane v10, v3  }
0x104: {  	v13 =	vperm.xlane v12, v2;
	v11 =	vadd.f32 v14, v11  }
0x105: {  	v6 =	vsel vm9, v6, v7;
	v7 =	vadd.f32 v10, v9  }
0x106: {  	v9 =	vadd.f32 v12, v13;
	v10 =	vperm.xlane v11, v1  }
0x107: {  	v6 =	vsel vm10, v6, v7  }
0x108: {  	v7 =	vperm.xlane v9, v3;
	v10 =	vadd.f32 v11, v10;
	_ =	sdelay $0x1  }
0x109: {  	v7 =	vadd.f32 v9, v7;
	v9 =	vperm.xlane v10, v2  }
0x10a: {  	s4 =	sshra.s32 s30, $0x2;
	s30 =	smov.u32 s0  }
0x10b: {  	v6 =	vsel vm11, v6, v7;
	v7 =	vadd.f32 v10, v9;
	v9 =	vld [tilespmem:s4+$0x10600]  }
0x10c: {  	v6 =	vsel vm12, v6, v8  }
0x10d: {  	v4 =	vsel vm13, v6, v4;
	v6 =	vperm.xlane v7, v3;
	v8 =	vld [tilespmem:s4+$0x10800];
	_ =	sdelay $0x1  }
0x10e: {  	v6 =	vadd.f32 v7, v6;
	_ =	sdelay $0x1  }
0x10f: {  	v4 =	vsel vm14, v4, v6  }
0x110: {  	v4 =	vadd.f32 v4, v9;
	_ =	sdelay $0x1  }
0x111: {  	v4 =	vadd.f32 v4, v8;
	_ =	sdelay $0x1  }
0x112: {  	v4 =	vadd.f32 v4, v5;
	_ =	sdelay $0x1  }
0x113: {  	[tilespmem:s4+$0x10A00] =	vst v4  }
0x114: {  	v15 =	vld [tilespmem:s26+$0x1D0]  }
0x115: {  	v16 =	vld [tilespmem:s29+$0x1D0]  }
0x116: {  	v4 =	vld [tilespmem:s29+$0x1B0]  }
0x117: {  	v6 =	vld [tilespmem:s26+$0x1B0]  }
0x118: {  	v8 =	vld [tilespmem:s29+$0x1A0]  }
0x119: {  	v9 =	vld [tilespmem:s26+$0x1A0]  }
0x11a: {  	v10 =	vld [tilespmem:s29+$0x190]  }
0x11b: {  	v11 =	vld [tilespmem:s26+$0x190]  }
0x11c: {  	v12 =	vld [tilespmem:s29+$0x180];
	v4 =	vmul.f32 v4, v6  }
0x11d: {  	v6 =	vld [tilespmem:s26+$0x180]  }
0x11e: {  	v7 =	vld [tilespmem:s29+$0x170];
	v13 =	vmul.f32 v8, v9  }
0x11f: {  	v8 =	vld [tilespmem:s29+$0x160]  }
0x120: {  	v9 =	vld [tilespmem:s29+$0x150];
	v10 =	vmul.f32 v10, v11  }
0x121: {  	v14 =	vld [tilespmem:s29+$0x110]  }
0x122: {  	v17 =	vld [tilespmem:s26+$0x110];
	v6 =	vmul.f32 v12, v6  }
0x123: {  	v19 =	vld [tilespmem:s29+$0xE0]  }
0x124: {  	v20 =	vld [tilespmem:s26+$0xE0];
	v6 =	vadd.f32 v10, v6  }
0x125: {  	v12 =	vld [tilespmem:s26+$0xA0]  }
0x126: {  	v11 =	vld [tilespmem:s26+$0xD0];
	v6 =	vadd.f32 v13, v6  }
0x127: {  	v13 =	vld [tilespmem:s29+$0xC0];
	v10 =	vmul.f32 v14, v17  }
0x128: {  	v21 =	vld [tilespmem:s29+$0xFFFFFFF0];
	v4 =	vadd.f32 v4, v6  }
0x129: {  	v24 =	vld [tilespmem:s26+$0xFFFFFFF0]  }
0x12a: {  	v23 =	vld [tilespmem:s29+$0x90];
	v6 =	vperm.xlane v4, v0  }
0x12b: {  	v25 =	vld [tilespmem:s29+$0xFFFFFE40]  }
0x12c: {  	v26 =	vld [tilespmem:s26+$0xFFFFFE40];
	v4 =	vadd.f32 v4, v6  }
0x12d: {  	v6 =	vld [tilespmem:s29+$0x70]  }
0x12e: {  	v17 =	vld [tilespmem:s26+$0x70];
	v14 =	vperm.xlane v4, v1  }
0x12f: {  	v18 =	vld [tilespmem:s29+$0x60]  }
0x130: {  	v22 =	vld [tilespmem:s26+$0x60];
	v4 =	vadd.f32 v4, v14  }
0x131: {  	v30 =	vld [tilespmem:s26+$0x90]  }
0x132: {  	v14 =	vld [tilespmem:s29+$0x80];
	v27 =	vperm.xlane v4, v2  }
0x133: {  	v28 =	vld [tilespmem:s26+$0x50]  }
0x134: {  	v29 =	vld [tilespmem:s29+$0x50];
	v4 =	vadd.f32 v4, v27  }
0x135: {  	v27 =	vld [tilespmem:s29+$0x40];
	v35 =	vmul.f32 v18, v22  }
0x136: {  	v22 =	vld [tilespmem:s26+$0x40];
	v31 =	vperm.xlane v4, v3  }
0x137: {  	v18 =	vld [tilespmem:s29+$0x20]  }
0x138: {  	v32 =	vld [tilespmem:s29+$0xFFFFFE10];
	v4 =	vadd.f32 v4, v31  }
0x139: {  	v34 =	vld [tilespmem:s26+$0xFFFFFE10];
	v28 =	vmul.f32 v29, v28  }
0x13a: {  	v31 =	vld [tilespmem:s29+$0x10]  }
0x13b: {  	v33 =	vld [tilespmem:s26+$0x10];
	v27 =	vmul.f32 v27, v22  }
0x13c: {  	v22 =	vld [tilespmem:s29+$0x0]  }
0x13d: {  	v29 =	vld [tilespmem:s29+$0xFFFFFFD0];
	v27 =	vadd.f32 v28, v27  }
0x13e: {  	v36 =	vld [tilespmem:s26+$0xFFFFFFD0]  }
0x13f: {  	v6 =	vmul.f32 v6, v17;
	v28 =	vld [tilespmem:s29+$0xFFFFFFC0];
	v27 =	vadd.f32 v35, v27  }
0x140: {  	v37 =	vld [tilespmem:s26+$0xFFFFFEF0]  }
0x141: {  	v17 =	vld [tilespmem:s29+$0xFFFFFFB0];
	v6 =	vadd.f32 v6, v27  }
0x142: {  	v27 =	vld [tilespmem:s26+$0xFFFFFFB0]  }
0x143: {  	v38 =	vld [tilespmem:s29+$0xFFFFFFA0];
	v29 =	vmul.f32 v29, v36;
	v35 =	vperm.xlane v6, v0  }
0x144: {  	v36 =	vld [tilespmem:s26+$0xFFFFFFA0]  }
0x145: {  	v39 =	vld [tilespmem:s29+$0xFFFFFF90];
	v6 =	vadd.f32 v6, v35  }
0x146: {  	v40 =	vld [tilespmem:s26+$0xFFFFFF90]  }
0x147: {  	v41 =	vld [tilespmem:s29+$0xFFFFFF80];
	v17 =	vmul.f32 v17, v27;
	v27 =	vperm.xlane v6, v1  }
0x148: {  	v42 =	vld [tilespmem:s26+$0xFFFFFF80]  }
0x149: {  	v35 =	vld [tilespmem:s29+$0xFFFFFEB0];
	v36 =	vmul.f32 v38, v36;
	v6 =	vadd.f32 v6, v27  }
0x14a: {  	v27 =	vld [tilespmem:s29+$0xFFFFFF70]  }
0x14b: {  	v38 =	vld [tilespmem:s26+$0xFFFFFF70];
	v39 =	vmul.f32 v39, v40;
	v40 =	vperm.xlane v6, v2  }
0x14c: {  	v43 =	vld [tilespmem:s29+$0xFFFFFF60]  }
0x14d: {  	v44 =	vld [tilespmem:s26+$0xFFFFFF60];
	v41 =	vmul.f32 v41, v42;
	v6 =	vadd.f32 v6, v40  }
0x14e: {  	v40 =	vld [tilespmem:s29+$0xFFFFFF50]  }
0x14f: {  	v42 =	vld [tilespmem:s26+$0xFFFFFF50];
	v39 =	vadd.f32 v39, v41;
	v41 =	vperm.xlane v6, v3  }
0x150: {  	v45 =	vld [tilespmem:s29+$0xFFFFFF40];
	v27 =	vmul.f32 v27, v38  }
0x151: {  	v38 =	vld [tilespmem:s26+$0xFFFFFF40];
	v36 =	vadd.f32 v36, v39;
	v6 =	vadd.f32 v6, v41  }
0x152: {  	v39 =	vld [tilespmem:s26+$0xFFFFFF30];
	v41 =	vmul.f32 v43, v44  }
0x153: {  	v43 =	vld [tilespmem:s29+$0xFFFFFF20];
	v17 =	vadd.f32 v17, v36  }
0x154: {  	v36 =	vld [tilespmem:s29+$0xFFFFFE30];
	v40 =	vmul.f32 v40, v42  }
0x155: {  	v42 =	vld [tilespmem:s29+$0xFFFFFF30];
	v44 =	vperm.xlane v17, v0  }
0x156: {  	v46 =	vld [tilespmem:s26+$0xFFFFFF20];
	v38 =	vmul.f32 v45, v38  }
0x157: {  	v45 =	vld [tilespmem:s29+$0xFFFFFF10];
	v17 =	vadd.f32 v17, v44  }
0x158: {  	v44 =	vld [tilespmem:s26+$0xFFFFFF10];
	v38 =	vadd.f32 v40, v38  }
0x159: {  	v40 =	vld [tilespmem:s29+$0xFFFFFF00];
	v47 =	vperm.xlane v17, v1  }
0x15a: {  	v48 =	vld [tilespmem:s26+$0xFFFFFF00];
	v38 =	vadd.f32 v41, v38  }
0x15b: {  	v41 =	vld [tilespmem:s29+$0xFFFFFEA0];
	v43 =	vmul.f32 v43, v46;
	v17 =	vadd.f32 v17, v47  }
0x15c: {  	v46 =	vld [tilespmem:s26+$0xFFFFFEA0];
	v27 =	vadd.f32 v27, v38  }
0x15d: {  	v38 =	vld [tilespmem:s29+$0xFFFFFE70];
	v44 =	vmul.f32 v45, v44;
	v45 =	vperm.xlane v17, v2  }
0x15e: {  	v47 =	vld [tilespmem:s29+$0xFFFFFEF0];
	v49 =	vperm.xlane v27, v0  }
0x15f: {  	v50 =	vld [tilespmem:s29+$0xFFFFFEE0];
	v40 =	vmul.f32 v40, v48;
	v17 =	vadd.f32 v17, v45  }
0x160: {  	v45 =	vld [tilespmem:s26+$0xFFFFFEE0];
	v27 =	vadd.f32 v27, v49  }
0x161: {  	v41 =	vmul.f32 v41, v46;
	v46 =	vld [tilespmem:s29+$0xFFFFFED0];
	v40 =	vadd.f32 v44, v40;
	v44 =	vperm.xlane v17, v3  }
0x162: {  	v48 =	vld [tilespmem:s26+$0xFFFFFED0];
	v49 =	vperm.xlane v27, v1  }
0x163: {  	v39 =	vmul.f32 v42, v39;
	v51 =	vld [tilespmem:s29+$0xFFFFFEC0];
	v40 =	vadd.f32 v43, v40;
	v17 =	vadd.f32 v17, v44  }
0x164: {  	v37 =	vmul.f32 v47, v37;
	v42 =	vld [tilespmem:s26+$0xFFFFFEC0];
	v27 =	vadd.f32 v27, v49  }
0x165: {  	v43 =	vld [tilespmem:s29+$0xFFFFFE20];
	v44 =	vmul.f32 v50, v45;
	v39 =	vadd.f32 v39, v40  }
0x166: {  	v40 =	vld [tilespmem:s29+$0xFFFFFE90];
	v45 =	vperm.xlane v27, v2  }
0x167: {  	v47 =	vld [tilespmem:s26+$0xFFFFFE90];
	v46 =	vmul.f32 v46, v48;
	v48 =	vperm.xlane v39, v0  }
0x168: {  	v49 =	vld [tilespmem:s26+$0xFFFFFE60];
	v27 =	vadd.f32 v27, v45  }
0x169: {  	v45 =	vld [tilespmem:s29+$0xFFFFFE80];
	v42 =	vmul.f32 v51, v42;
	v39 =	vadd.f32 v39, v48  }
0x16a: {  	v48 =	vld [tilespmem:s29+$0xFFFFFE60];
	v50 =	vperm.xlane v27, v3  }
0x16b: {  	v51 =	vld [tilespmem:s26+$0xFFFFFE00];
	v42 =	vadd.f32 v46, v42;
	v46 =	vperm.xlane v39, v1  }
0x16c: {  	v52 =	vld [tilespmem:s29+$0xFFFFFE50];
	v40 =	vmul.f32 v40, v47;
	v27 =	vadd.f32 v27, v50  }
0x16d: {  	v47 =	vld [tilespmem:s26+$0xFFFFFE50];
	v42 =	vadd.f32 v44, v42;
	v39 =	vadd.f32 v39, v46  }
0x16e: {  	v15 =	vmul.f32 v16, v15;
	v19 =	vmul.f32 v19, v20;
	v44 =	vld [tilespmem:s29+$0xFFFFFE00]  }
0x16f: {  	v21 =	vmul.f32 v21, v24;
	v16 =	vld [tilespmem:s26+$0xFFFFFE80];
	v20 =	vadd.f32 v37, v42;
	v37 =	vperm.xlane v39, v2  }
0x170: {  	v25 =	vmul.f32 v25, v26;
	v23 =	vmul.f32 v23, v30;
	v24 =	vld [tilespmem:s26+$0xFFFFFE20]  }
0x171: {  	v26 =	vmul.f32 v32, v34;
	v30 =	vld [tilespmem:s26+$0xFFFFFE70];
	v32 =	vperm.xlane v20, v0;
	v34 =	vadd.f32 v39, v37  }
0x172: {  	v31 =	vmul.f32 v31, v33;
	v37 =	vld [tilespmem:s26+$0xFFFFFE30];
	v39 =	vmul.f32 v52, v47  }
0x173: {  	v33 =	vmul.f32 v44, v51;
	v42 =	vld [tilespmem:s26+$0xFFFFFEB0];
	v20 =	vadd.f32 v20, v32;
	v32 =	vperm.xlane v34, v3  }
0x174: {  	v25 =	vadd.f32 v39, v25;
	v39 =	vmul.f32 v48, v49;
	v16 =	vmul.f32 v45, v16;
	v44 =	vld [tilespmem:s26+$0xFFFFFFC0]  }
0x175: {  	v26 =	vadd.f32 v26, v33;
	v24 =	vmul.f32 v43, v24;
	v33 =	vperm.xlane v20, v1;
	v43 =	vld [tilespmem:s26+$0x0]  }
0x176: {  	v25 =	vadd.f32 v39, v25;
	v30 =	vmul.f32 v38, v30;
	v16 =	vadd.f32 v40, v16;
	v38 =	vld [tilespmem:s26+$0xFFFFFFE0]  }
0x177: {  	v24 =	vadd.f32 v24, v26;
	v26 =	vmul.f32 v36, v37;
	v20 =	vadd.f32 v20, v33;
	v33 =	vld [tilespmem:s26+$0x20]  }
0x178: {  	v25 =	vadd.f32 v30, v25;
	v16 =	vadd.f32 v41, v16;
	v30 =	vmul.f32 v35, v42;
	v35 =	vld [tilespmem:s29+$0xFFFFFFE0]  }
0x179: {  	v24 =	vadd.f32 v26, v24;
	v26 =	vperm.xlane v20, v2;
	v28 =	vmul.f32 v28, v44;
	v36 =	vld [tilespmem:s26+$0x80]  }
0x17a: {  	v37 =	vperm.xlane v25, v0;
	v16 =	vadd.f32 v30, v16;
	v22 =	vmul.f32 v22, v43;
	v30 =	vld [tilespmem:s29+$0x30]  }
0x17b: {  	v39 =	vperm.xlane v24, v0;
	v20 =	vadd.f32 v20, v26;
	v26 =	vadd.f32 v29, v28;
	v28 =	vld [tilespmem:s26+$0x30]  }
0x17c: {  	v25 =	vadd.f32 v25, v37;
	v29 =	vperm.xlane v16, v0;
	v18 =	vmul.f32 v18, v33;
	v33 =	vld [tilespmem:s26+$0xC0]  }
0x17d: {  	v24 =	vadd.f32 v24, v39;
	v37 =	vperm.xlane v20, v3;
	v35 =	vmul.f32 v35, v38;
	v38 =	vld [tilespmem:s29+$0xA0]  }
0x17e: {  	v22 =	vadd.f32 v31, v22;
	v39 =	vperm.xlane v25, v1;
	v16 =	vadd.f32 v16, v29;
	v29 =	vld [tilespmem:s29+$0xD0]  }
0x17f: {  	v31 =	vperm.xlane v24, v1;
	v20 =	vadd.f32 v20, v37;
	v26 =	vadd.f32 v35, v26;
	v35 =	vld [tilespmem:s29+$0x100]  }
0x180: {  	v18 =	vadd.f32 v18, v22;
	v14 =	vmul.f32 v14, v36;
	v37 =	vperm.xlane v16, v1;
	v22 =	vld [tilespmem:s29+$0xB0]  }
0x181: {  	v32 =	vadd.f32 v34, v32;
	v28 =	vmul.f32 v30, v28;
	v30 =	vld [tilespmem:s26+$0xB0];
	v13 =	vmul.f32 v13, v33  }
0x182: {  	v14 =	vadd.f32 v23, v14;
	v16 =	vadd.f32 v16, v37;
	v12 =	vmul.f32 v38, v12;
	v23 =	vld [tilespmem:s26+$0x100]  }
0x183: {  	v25 =	vadd.f32 v25, v39;
	v24 =	vadd.f32 v24, v31;
	v11 =	vmul.f32 v29, v11;
	v29 =	vld [tilespmem:s26+$0x150]  }
0x184: {  	v21 =	vadd.f32 v21, v26;
	v18 =	vadd.f32 v28, v18;
	v31 =	vperm.xlane v16, v2;
	v26 =	vld [tilespmem:s26+$0x140]  }
0x185: {  	v33 =	vperm.xlane v25, v2;
	v28 =	vperm.xlane v24, v2;
	v12 =	vadd.f32 v12, v14;
	v14 =	vld [tilespmem:s29+$0x140]  }
0x186: {  	v16 =	vadd.f32 v16, v31;
	v31 =	vperm.xlane v21, v0;
	v22 =	vmul.f32 v22, v30;
	v30 =	vld [tilespmem:s29+$0x120]  }
0x187: {  	v24 =	vadd.f32 v24, v28;
	v28 =	vperm.xlane v18, v0;
	v23 =	vmul.f32 v35, v23;
	v34 =	vld [tilespmem:s26+$0x120]  }
0x188: {  	v35 =	vperm.xlane v16, v3;
	v21 =	vadd.f32 v21, v31;
	v9 =	vmul.f32 v9, v29;
	v29 =	vld [tilespmem:s26+$0x160]  }
0x189: {  	v11 =	vadd.f32 v11, v13;
	v31 =	vperm.xlane v24, v3;
	v13 =	vld [tilespmem:s26+$0xF0];
	v10 =	vadd.f32 v10, v23  }
0x18a: {  	v12 =	vadd.f32 v22, v12;
	v16 =	vadd.f32 v16, v35;
	v23 =	vperm.xlane v21, v1;
	v22 =	vld [tilespmem:s26+$0x170]  }
0x18b: {  	v11 =	vadd.f32 v19, v11;
	v24 =	vadd.f32 v24, v31;
	v14 =	vmul.f32 v14, v26;
	v19 =	vld [tilespmem:s29+$0xF0]  }
0x18c: {  	v21 =	vadd.f32 v21, v23;
	v23 =	vperm.xlane v12, v0;
	v26 =	vmul.f32 v30, v34;
	v30 =	vld [tilespmem:s26+$0x1C0]  }
0x18d: {  	v25 =	vadd.f32 v25, v33;
	v9 =	vadd.f32 v9, v14;
	v8 =	vmul.f32 v8, v29  }
0x18e: {  	v14 =	vperm.xlane v21, v2;
	v12 =	vadd.f32 v12, v23;
	v10 =	vadd.f32 v26, v10;
	v23 =	vld [tilespmem:s29+$0x130]  }
0x18f: {  	v26 =	vperm.xlane v25, v3;
	v8 =	vadd.f32 v8, v9;
	v7 =	vmul.f32 v7, v22;
	v9 =	vld [tilespmem:s29+$0x1C0]  }
0x190: {  	v18 =	vadd.f32 v18, v28;
	v14 =	vadd.f32 v21, v14;
	v13 =	vmul.f32 v19, v13;
	v19 =	vld [tilespmem:s26+$0x130]  }
0x191: {  	v21 =	vadd.f32 v25, v26;
	v22 =	vperm.xlane v12, v1;
	v7 =	vadd.f32 v7, v8;
	v8 =	vld [tilespmem:s29+$0x1E0]  }
0x192: {  	v26 =	vperm.xlane v18, v1;
	v25 =	vperm.xlane v14, v3;
	v11 =	vadd.f32 v13, v11;
	v13 =	vld [tilespmem:s26+$0x1E0]  }
0x193: {  	v21 =	vsel vm0, v24, v21;
	v22 =	vadd.f32 v12, v22;
	v12 =	vperm.xlane v7, v0  }
0x194: {  	v14 =	vadd.f32 v14, v25;
	v24 =	vperm.xlane v11, v0;
	v9 =	vmul.f32 v9, v30  }
0x195: {  	v18 =	vadd.f32 v18, v26;
	v16 =	vsel vm1, v21, v16;
	v7 =	vadd.f32 v7, v12;
	v21 =	vld [tilespmem:s26+$0x1F0]  }
0x196: {  	v12 =	vsel vm2, v16, v20;
	v16 =	vmul.f32 v23, v19;
	v11 =	vadd.f32 v11, v24  }
0x197: {  	v12 =	vsel vm3, v12, v32;
	v19 =	vperm.xlane v7, v1;
	v8 =	vmul.f32 v8, v13;
	v13 =	vld [tilespmem:s29+$0x1F0]  }
0x198: {  	v20 =	vperm.xlane v18, v2;
	v12 =	vsel vm4, v12, v27;
	v16 =	vadd.f32 v16, v10  }
0x199: {  	v9 =	vadd.f32 v15, v9;
	v10 =	vsel vm5, v12, v17;
	v17 =	vadd.f32 v7, v19  }
0x19a: {  	v7 =	vsel vm6, v10, v14;
	v10 =	vperm.xlane v11, v1;
	v12 =	vperm.xlane v16, v0  }
.Ltmp0:
0x19b: {  	v14 =	vadd.f32 v18, v20;
	v18 =	vadd.f32 v8, v9;
	v15 =	vperm.xlane v17, v2;
	(pc) =	sbr.rel @p0 .LBB2_2-.Ltmp0, $4  }
0x19c: {  	v9 =	vperm.xlane v22, v2;
	v10 =	vadd.f32 v11, v10;
	v12 =	vadd.f32 v16, v12  }
0x19d: {  	v11 =	vperm.xlane v14, v3;
	v8 =	vadd.f32 v17, v15;
	v17 =	vmul.f32 v13, v21  }
0x19e: {  	v9 =	vadd.f32 v22, v9;
	v15 =	vperm.xlane v10, v2;
	v16 =	vperm.xlane v12, v1  }
0x19f: {  	v13 =	vadd.f32 v14, v11;
	v11 =	vperm.xlane v8, v3;
	v14 =	vadd.f32 v17, v18  }
0x1a0: {  	_ = 	snop  }
0x1a1: {  	v17 =	vperm.xlane v14, v0;
	_ =	sdelay $0x1  }
0x1a2: {  	v14 =	vadd.f32 v14, v17  }
0x1a3: {  	v12 =	vadd.f32 v12, v16  }
0x1a4: {  	v51 =	vperm.xlane v14, v1  }
0x1a5: {  	v52 =	vperm.xlane v12, v2  }
0x1a6: {  	v10 =	vadd.f32 v10, v15;
	v14 =	vadd.f32 v14, v51  }
0x1a7: {  	v53 =	vperm.xlane v9, v3;
	v12 =	vadd.f32 v12, v52  }
0x1a8: {  	v54 =	vperm.xlane v10, v3;
	v55 =	vperm.xlane v14, v2  }
0x1a9: {  	v7 =	vsel vm7, v7, v13;
	v9 =	vadd.f32 v9, v53;
	v56 =	vperm.xlane v12, v3  }
0x1aa: {  	v6 =	vsel vm8, v7, v6;
	v57 =	vadd.f32 v10, v54;
	v58 =	vadd.f32 v14, v55  }
0x1ab: {  	s0 =	sshra.s32 s30, $0x2;
	v6 =	vsel vm9, v6, v9;
	v59 =	vadd.f32 v12, v56  }
0x1ac: {  	v8 =	vadd.f32 v8, v11;
	v60 =	vld [tilespmem:s0+$0x10600];
	v6 =	vsel vm10, v6, v57;
	v61 =	vperm.xlane v58, v3  }
0x1ad: {  	v6 =	vsel vm11, v6, v59  }
0x1ae: {  	v62 =	vld [tilespmem:s0+$0x10800];
	v6 =	vsel vm12, v6, v8;
	v63 =	vadd.f32 v58, v61  }
0x1af: {  	v4 =	vsel vm13, v6, v4  }
0x1b0: {  	v4 =	vsel vm14, v4, v63  }
0x1b1: {  	v4 =	vadd.f32 v4, v60;
	_ =	sdelay $0x1  }
0x1b2: {  	v4 =	vadd.f32 v4, v62;
	_ =	sdelay $0x1  }
0x1b3: {  	s25 =	sadd.s32 $0x1, s25;
	v4 =	vadd.f32 v4, v5  }
0x1b4: {  	p0 =	sne.s32 s25, s11  }
.Ltmp1:
0x1b5: {  	[tilespmem:s0+$0x10A00] =	vst v4;
	(pc) =	sbr.rel @p0 .LBB2_1-.Ltmp1, $4  }
0x1b6: {  	[hbm4b:s10+s3] =	stream.linear.scatter [tilespmem:s24], [sflag:$0x2], $0x200, $0x38;
	[tilespmem:$0x10C10] =	vst v63  }
0x1b7: {  	_ =	swait.ge [sflag:s12], $0x200  }
0x1b8: {  	[sflag:s12] =	ssyncset.done $0x0  }
0x1b9: {  	[sflag:s12] =	ssyncadd.s32 $0xFFFFFE00  }
0x1ba: {  	_ =	sfence.sel $0x180000  }
0x1bb: {  	[bflag:$0x0] =	sbarrier.arrive $0xFFFF  }
0x1bc: {  	_ =	strace $0x90000047  }
0x1bd: {  	s0 =	stileid.u32;
	[bflag:$0x2] =	sbarrier.arrive $0xFFFF  }
0x1be: {  	p0 =	sne.s32 s0, $0x0;
	s0 =	rddreg [dreg:$0x7]  }
0x1bf: {  	s0 =	sadd.s32 @!p0 $0x100000, s0  }
0x1c0: {  	[sflag:s0] =	ssyncadd.tile.s32 @!p0 $0x1;
	_ =	shalt  }
.Lfunc_end2:
_tile_overlayer_lowered:
.L_overlay_start_2:
0x1c1: {  	(tag) =	ssettag $0x2  }
0x1c2: {  	s0 =	rddreg [dreg:$0x0];
	s2 =	stileid.u32  }
0x1c3: {  	s1 =	rddreg [dreg:$0x1];
	p0 =	sne.s32 s2, $0x0  }
0x1c4: {  	s3 =	rddreg [dreg:$0x2];
	[bflag:$0x3] =	sbarrier.arrive $0xFFFF;
	s2 =	simm.s32 @!p0 $0x1C02  }
0x1c5: {  	[timem:s3], [sflag:s2] =	dma.local @!p0 [hbm:s0], s1  }
0x1c6: {  	s0 =	simm.s32 @!p0 $0x2  }
0x1c7: {  	_ =	swait.ge @!p0 [sflag:s0], s1  }
0x1c8: {  	s1 =	ssub.s32 @!p0 $0x0, s1;
	[sflag:s0] =	ssyncset.done @!p0 $0x0  }
0x1c9: {  	[sflag:s0] =	ssyncadd.s32 @!p0 s1  }
0x1ca: {  	[bflag:$0x3] =	sbarrier.arrive $0xFFFF  }
0x1cb: {  	_ =	shalt  }

</sc_bundles>
